<compile_context>
chip_gen: v7x
topology: tpu7x:2x2x1
jax: 0.10.2.dev20260603
libtpu: 0.0.44.dev20260713+nightly
codegen_flags: <defaults>
</compile_context>

<pallas_src>
import functools

import jax
import jax.numpy as jnp
from jax import lax
from jax.experimental import pallas as pl
from jax.experimental.pallas import tpu as pltpu
from jax.experimental.pallas import tpu_sc as plsc

_VOCAB = 100000
_EMBED = 128
_B = 4096
_L = 50

_NC = 2
_NS = 16

_LG = 2
_BG = 16
_L_PER_W = _L // _LG
_B_PER_W = _B // _BG
_PER_W = _L_PER_W * _B_PER_W
_NBUF = 3


@functools.partial(
    pl.kernel,
    out_type=jax.ShapeDtypeStruct((_L, _B, _EMBED), jnp.float32),
    mesh=plsc.VectorSubcoreMesh(core_axis_name="c", subcore_axis_name="s"),
    scratch_types=[
        pltpu.VMEM((_PER_W,), jnp.int32),
        pltpu.VMEM((_B_PER_W, _EMBED), jnp.float32),
        pltpu.VMEM((_B_PER_W, _EMBED), jnp.float32),
        pltpu.VMEM((_B_PER_W, _EMBED), jnp.float32),
        pltpu.SemaphoreType.DMA,
        pltpu.SemaphoreType.DMA,
    ],
)
def _gather_kernel(table_hbm, idx_hbm, out_hbm, idx_v, buf0, buf1, buf2, sem_g, sem_w):
    lg = lax.axis_index("c")
    bg = lax.axis_index("s")
    wid = lg * _BG + bg
    l0 = lg * _L_PER_W
    b0 = bg * _B_PER_W
    pltpu.sync_copy(idx_hbm.at[pl.ds(wid * _PER_W, _PER_W)], idx_v)

    bufs = (buf0, buf1, buf2)

    def fire_gather(c):
        return pltpu.async_copy(
            table_hbm.at[idx_v.at[pl.ds(c * _B_PER_W, _B_PER_W)]],
            bufs[c % _NBUF],
            sem_g,
        )

    def fire_write(c):
        return pltpu.async_copy(
            bufs[c % _NBUF], out_hbm.at[l0 + c, pl.ds(b0, _B_PER_W)], sem_w
        )

    gathers = [fire_gather(0), fire_gather(1)]
    writes = []
    for c in range(_L_PER_W):
        if c >= 2:
            writes[c - 2].wait()
        if c + 2 < _L_PER_W:
            gathers.append(fire_gather(c + 2))
        gathers[c].wait()
        writes.append(fire_write(c))
    writes[_L_PER_W - 2].wait()
    writes[_L_PER_W - 1].wait()


def kernel(inputs, w, b):
    idx_t = jnp.transpose(inputs).astype(jnp.int32)
    idx_w = jnp.transpose(
        jnp.reshape(idx_t, (_LG, _L_PER_W, _BG, _B_PER_W)), (0, 2, 1, 3)
    )
    out = _gather_kernel(w, jnp.reshape(idx_w, (_L * _B,)))
    return jnp.transpose(out, (1, 0, 2))

# --- scband reference (transcript-rebuilt; emitter-appended) ---
"""Pipeline reference for scband-tied-embedding-42073499631933 (READ-ONLY COPY).

The authoritative reference and input builder live on the scoring server;
editing this copy changes nothing except your own understanding.
"""

import jax, jax.numpy as jnp
import numpy as np

VOCAB = 100000
EMBED = 128
B = 4096
L = 50

def setup_inputs(seed: int = 0) -> dict:
    key = jax.random.key(seed)
    k1, k2, k3 = jax.random.split(key, 3)
    inputs = jax.random.randint(k1, (B, L), 0, VOCAB)
    w = jax.random.normal(k2, (VOCAB, EMBED), dtype=jnp.float32)
    b = jax.random.normal(k3, (VOCAB,), dtype=jnp.float32)
    return {"inputs": inputs, "w": w, "b": b}

def reference(inputs, w, b):
    # embed=True path of TiedEmbedding.forward:
    # torch.nn.functional.embedding(inputs, self.w) -> row gather from w
    return jnp.take(w, inputs, axis=0)

if __name__ == "__main__":
    import jax
    _d = setup_inputs()
    print(jax.jit(kernel)(*tuple(_d.values())))

</pallas_src>

<mosaic_0001>
#map = affine_map<(d0, d1) -> (0, 0)>
#map1 = affine_map<(d0, d1) -> (0)>
#map2 = affine_map<(d0, d1) -> (0, 0, 0)>
module attributes {stable_mosaic.version = 14 : i64} {
  func.func @_gather_kernel(%arg0: i32, %arg1: i32, %arg2: memref<100000x128xf32, #tpu.memory_space<hbm>>, %arg3: memref<204800xi32, #tpu.memory_space<hbm>>, %arg4: memref<50x4096x128xf32, #tpu.memory_space<hbm>>, %arg5: memref<6400xi32, #tpu.memory_space<vmem>>, %arg6: memref<256x128xf32, #tpu.memory_space<vmem>>, %arg7: memref<256x128xf32, #tpu.memory_space<vmem>>, %arg8: memref<256x128xf32, #tpu.memory_space<vmem>>, %arg9: memref<!tpu.dma_semaphore, #tpu.memory_space<semaphore_mem>>, %arg10: memref<!tpu.dma_semaphore, #tpu.memory_space<semaphore_mem>>) attributes {dimension_semantics = [#tpu.dimension_semantics<core_parallel>, #tpu.dimension_semantics<subcore_parallel>], iteration_bounds = array<i64: 2, 16>, scalar_prefetch = 0 : i64, scratch_operands = 6 : i64, tpu.core_type = #tpu.core_type<sc_vector_subcore>, window_params = [{transform_indices = #map}, {transform_indices = #map1}, {transform_indices = #map2}]} {
    %mul3A = arith.constant 16 : i32
    %mul3A_0 = arith.muli %arg0, %mul3A : i32
    %add3A = arith.addi %mul3A_0, %arg1 : i32
    %mul3A_1 = arith.constant 25 : i32
    %mul3A_2 = arith.muli %arg0, %mul3A_1 : i32
    %mul3A_3 = arith.constant 256 : i32
    %mul3A_4 = arith.muli %arg1, %mul3A_3 : i32
    %mul3A_5 = arith.constant 6400 : i32
    %mul3A_6 = arith.muli %add3A, %mul3A_5 : i32
    "tpu.region"() ({
      %run_scoped3A = tpu.sem_alloc : memref<!tpu.dma_semaphore, #tpu.memory_space<semaphore_mem>>
      %dma_start3A_605 = tpu.memref_slice %arg3[%mul3A_6] : memref<204800xi32, #tpu.memory_space<hbm>> -> memref<6400xi32, #tpu.memory_space<hbm>>
      %dma_start3A_606 = tpu.memref_slice %arg3[%mul3A_6] : memref<204800xi32, #tpu.memory_space<hbm>> -> memref<6400xi32, #tpu.memory_space<hbm>>
      tpu.enqueue_dma source(%dma_start3A_606 : memref<6400xi32, #tpu.memory_space<hbm>>) target(%arg5 : memref<6400xi32, #tpu.memory_space<vmem>>) target_semaphore(%run_scoped3A : memref<!tpu.dma_semaphore, #tpu.memory_space<semaphore_mem>>)
      %dma_wait3A_607 = tpu.memref_slice %arg3[%mul3A_6] : memref<204800xi32, #tpu.memory_space<hbm>> -> memref<6400xi32, #tpu.memory_space<hbm>>
      %dma_wait3A_608 = tpu.memref_slice %arg3[%mul3A_6] : memref<204800xi32, #tpu.memory_space<hbm>> -> memref<6400xi32, #tpu.memory_space<hbm>>
      tpu.wait_dma2 semaphore(%run_scoped3A : memref<!tpu.dma_semaphore, #tpu.memory_space<semaphore_mem>>) src(%dma_wait3A_608 : memref<6400xi32, #tpu.memory_space<hbm>>) dst(%arg5 : memref<6400xi32, #tpu.memory_space<vmem>>)
      tpu.yield
    }) : () -> ()
    %dma_start3A = arith.constant 0 : i32
    %dma_start3A_7 = tpu.memref_slice %arg5[%dma_start3A] : memref<6400xi32, #tpu.memory_space<vmem>> -> memref<256xi32, #tpu.memory_space<vmem>>
    %dma_start3A_8 = arith.constant 0 : i32
    %dma_start3A_9 = arith.constant 0 : i32
    %dma_start3A_10 = tpu.memref_slice %arg2[%dma_start3A_8, %dma_start3A_9] : memref<100000x128xf32, #tpu.memory_space<hbm>> -> memref<100000x128xf32, #tpu.memory_space<hbm>>
    tpu.enqueue_indirect_dma source(%dma_start3A_10 : memref<100000x128xf32, #tpu.memory_space<hbm>>) target(%arg6 : memref<256x128xf32, #tpu.memory_space<vmem>>) offsets(%dma_start3A_7 : memref<256xi32, #tpu.memory_space<vmem>>) semaphore(%arg9 : memref<!tpu.dma_semaphore, #tpu.memory_space<semaphore_mem>>)
    %dma_start3A_11 = arith.constant 256 : i32
    %dma_start3A_12 = tpu.memref_slice %arg5[%dma_start3A_11] : memref<6400xi32, #tpu.memory_space<vmem>> -> memref<256xi32, #tpu.memory_space<vmem>>
    %dma_start3A_13 = arith.constant 0 : i32
    %dma_start3A_14 = arith.constant 0 : i32
    %dma_start3A_15 = tpu.memref_slice %arg2[%dma_start3A_13, %dma_start3A_14] : memref<100000x128xf32, #tpu.memory_space<hbm>> -> memref<100000x128xf32, #tpu.memory_space<hbm>>
    tpu.enqueue_indirect_dma source(%dma_start3A_15 : memref<100000x128xf32, #tpu.memory_space<hbm>>) target(%arg7 : memref<256x128xf32, #tpu.memory_space<vmem>>) offsets(%dma_start3A_12 : memref<256xi32, #tpu.memory_space<vmem>>) semaphore(%arg9 : memref<!tpu.dma_semaphore, #tpu.memory_space<semaphore_mem>>)
    %dma_start3A_16 = arith.constant 512 : i32
    %dma_start3A_17 = tpu.memref_slice %arg5[%dma_start3A_16] : memref<6400xi32, #tpu.memory_space<vmem>> -> memref<256xi32, #tpu.memory_space<vmem>>
    %dma_start3A_18 = arith.constant 0 : i32
    %dma_start3A_19 = arith.constant 0 : i32
    %dma_start3A_20 = tpu.memref_slice %arg2[%dma_start3A_18, %dma_start3A_19] : memref<100000x128xf32, #tpu.memory_space<hbm>> -> memref<100000x128xf32, #tpu.memory_space<hbm>>
    tpu.enqueue_indirect_dma source(%dma_start3A_20 : memref<100000x128xf32, #tpu.memory_space<hbm>>) target(%arg8 : memref<256x128xf32, #tpu.memory_space<vmem>>) offsets(%dma_start3A_17 : memref<256xi32, #tpu.memory_space<vmem>>) semaphore(%arg9 : memref<!tpu.dma_semaphore, #tpu.memory_space<semaphore_mem>>)
    %dma_wait3A = arith.constant 0 : i32
    %dma_wait3A_21 = tpu.memref_slice %arg5[%dma_wait3A] : memref<6400xi32, #tpu.memory_space<vmem>> -> memref<256xi32, #tpu.memory_space<vmem>>
    %dma_wait3A_22 = arith.constant 0 : i32
    %dma_wait3A_23 = arith.constant 0 : i32
    %dma_wait3A_24 = tpu.memref_slice %arg2[%dma_wait3A_22, %dma_wait3A_23] : memref<100000x128xf32, #tpu.memory_space<hbm>> -> memref<100000x128xf32, #tpu.memory_space<hbm>>
    tpu.wait_indirect_dma semaphore(%arg9 : memref<!tpu.dma_semaphore, #tpu.memory_space<semaphore_mem>>) src(%dma_wait3A_24 : memref<100000x128xf32, #tpu.memory_space<hbm>>) dst(%arg6 : memref<256x128xf32, #tpu.memory_space<vmem>>)
    %add3A_25 = arith.constant 0 : i32
    %add3A_26 = arith.addi %mul3A_2, %add3A_25 : i32
    %dma_start3A_27 = arith.constant 0 : i32
    %dma_start3A_28 = tpu.memref_slice %arg4[%add3A_26, %mul3A_4, %dma_start3A_27] : memref<50x4096x128xf32, #tpu.memory_space<hbm>> -> memref<1x256x128xf32, #tpu.memory_space<hbm>>
    %dma_start3A_29 = tpu.memref_squeeze %dma_start3A_28 : memref<1x256x128xf32, #tpu.memory_space<hbm>> -> memref<256x128xf32, #tpu.memory_space<hbm>>
    %dma_start3A_30 = arith.constant 0 : i32
    %dma_start3A_31 = tpu.memref_slice %arg4[%add3A_26, %mul3A_4, %dma_start3A_30] : memref<50x4096x128xf32, #tpu.memory_space<hbm>> -> memref<1x256x128xf32, #tpu.memory_space<hbm>>
    %dma_start3A_32 = tpu.memref_squeeze %dma_start3A_31 : memref<1x256x128xf32, #tpu.memory_space<hbm>> -> memref<256x128xf32, #tpu.memory_space<hbm>>
    tpu.enqueue_dma source(%arg6 : memref<256x128xf32, #tpu.memory_space<vmem>>) target(%dma_start3A_32 : memref<256x128xf32, #tpu.memory_space<hbm>>) target_semaphore(%arg10 : memref<!tpu.dma_semaphore, #tpu.memory_space<semaphore_mem>>)
    %dma_start3A_33 = arith.constant 768 : i32
    %dma_start3A_34 = tpu.memref_slice %arg5[%dma_start3A_33] : memref<6400xi32, #tpu.memory_space<vmem>> -> memref<256xi32, #tpu.memory_space<vmem>>
    %dma_start3A_35 = arith.constant 0 : i32
    %dma_start3A_36 = arith.constant 0 : i32
    %dma_start3A_37 = tpu.memref_slice %arg2[%dma_start3A_35, %dma_start3A_36] : memref<100000x128xf32, #tpu.memory_space<hbm>> -> memref<100000x128xf32, #tpu.memory_space<hbm>>
    tpu.enqueue_indirect_dma source(%dma_start3A_37 : memref<100000x128xf32, #tpu.memory_space<hbm>>) target(%arg6 : memref<256x128xf32, #tpu.memory_space<vmem>>) offsets(%dma_start3A_34 : memref<256xi32, #tpu.memory_space<vmem>>) semaphore(%arg9 : memref<!tpu.dma_semaphore, #tpu.memory_space<semaphore_mem>>)
    %dma_wait3A_38 = arith.constant 256 : i32
    %dma_wait3A_39 = tpu.memref_slice %arg5[%dma_wait3A_38] : memref<6400xi32, #tpu.memory_space<vmem>> -> memref<256xi32, #tpu.memory_space<vmem>>
    %dma_wait3A_40 = arith.constant 0 : i32
    %dma_wait3A_41 = arith.constant 0 : i32
    %dma_wait3A_42 = tpu.memref_slice %arg2[%dma_wait3A_40, %dma_wait3A_41] : memref<100000x128xf32, #tpu.memory_space<hbm>> -> memref<100000x128xf32, #tpu.memory_space<hbm>>
    tpu.wait_indirect_dma semaphore(%arg9 : memref<!tpu.dma_semaphore, #tpu.memory_space<semaphore_mem>>) src(%dma_wait3A_42 : memref<100000x128xf32, #tpu.memory_space<hbm>>) dst(%arg7 : memref<256x128xf32, #tpu.memory_space<vmem>>)
    %add3A_43 = arith.constant 1 : i32
    %add3A_44 = arith.addi %mul3A_2, %add3A_43 : i32
    %dma_start3A_45 = arith.constant 0 : i32
    %dma_start3A_46 = tpu.memref_slice %arg4[%add3A_44, %mul3A_4, %dma_start3A_45] : memref<50x4096x128xf32, #tpu.memory_space<hbm>> -> memref<1x256x128xf32, #tpu.memory_space<hbm>>
    %dma_start3A_47 = tpu.memref_squeeze %dma_start3A_46 : memref<1x256x128xf32, #tpu.memory_space<hbm>> -> memref<256x128xf32, #tpu.memory_space<hbm>>
    %dma_start3A_48 = arith.constant 0 : i32
    %dma_start3A_49 = tpu.memref_slice %arg4[%add3A_44, %mul3A_4, %dma_start3A_48] : memref<50x4096x128xf32, #tpu.memory_space<hbm>> -> memref<1x256x128xf32, #tpu.memory_space<hbm>>
    %dma_start3A_50 = tpu.memref_squeeze %dma_start3A_49 : memref<1x256x128xf32, #tpu.memory_space<hbm>> -> memref<256x128xf32, #tpu.memory_space<hbm>>
    tpu.enqueue_dma source(%arg7 : memref<256x128xf32, #tpu.memory_space<vmem>>) target(%dma_start3A_50 : memref<256x128xf32, #tpu.memory_space<hbm>>) target_semaphore(%arg10 : memref<!tpu.dma_semaphore, #tpu.memory_space<semaphore_mem>>)
    %dma_wait3A_51 = arith.constant 0 : i32
    %dma_wait3A_52 = tpu.memref_slice %arg4[%add3A_26, %mul3A_4, %dma_wait3A_51] : memref<50x4096x128xf32, #tpu.memory_space<hbm>> -> memref<1x256x128xf32, #tpu.memory_space<hbm>>
    %dma_wait3A_53 = tpu.memref_squeeze %dma_wait3A_52 : memref<1x256x128xf32, #tpu.memory_space<hbm>> -> memref<256x128xf32, #tpu.memory_space<hbm>>
    %dma_wait3A_54 = arith.constant 0 : i32
    %dma_wait3A_55 = tpu.memref_slice %arg4[%add3A_26, %mul3A_4, %dma_wait3A_54] : memref<50x4096x128xf32, #tpu.memory_space<hbm>> -> memref<1x256x128xf32, #tpu.memory_space<hbm>>
    %dma_wait3A_56 = tpu.memref_squeeze %dma_wait3A_55 : memref<1x256x128xf32, #tpu.memory_space<hbm>> -> memref<256x128xf32, #tpu.memory_space<hbm>>
    tpu.wait_dma2 semaphore(%arg10 : memref<!tpu.dma_semaphore, #tpu.memory_space<semaphore_mem>>) src(%arg6 : memref<256x128xf32, #tpu.memory_space<vmem>>) dst(%dma_wait3A_56 : memref<256x128xf32, #tpu.memory_space<hbm>>)
    %dma_start3A_57 = arith.constant 1024 : i32
    %dma_start3A_58 = tpu.memref_slice %arg5[%dma_start3A_57] : memref<6400xi32, #tpu.memory_space<vmem>> -> memref<256xi32, #tpu.memory_space<vmem>>
    %dma_start3A_59 = arith.constant 0 : i32
    %dma_start3A_60 = arith.constant 0 : i32
    %dma_start3A_61 = tpu.memref_slice %arg2[%dma_start3A_59, %dma_start3A_60] : memref<100000x128xf32, #tpu.memory_space<hbm>> -> memref<100000x128xf32, #tpu.memory_space<hbm>>
    tpu.enqueue_indirect_dma source(%dma_start3A_61 : memref<100000x128xf32, #tpu.memory_space<hbm>>) target(%arg7 : memref<256x128xf32, #tpu.memory_space<vmem>>) offsets(%dma_start3A_58 : memref<256xi32, #tpu.memory_space<vmem>>) semaphore(%arg9 : memref<!tpu.dma_semaphore, #tpu.memory_space<semaphore_mem>>)
    %dma_wait3A_62 = arith.constant 512 : i32
    %dma_wait3A_63 = tpu.memref_slice %arg5[%dma_wait3A_62] : memref<6400xi32, #tpu.memory_space<vmem>> -> memref<256xi32, #tpu.memory_space<vmem>>
    %dma_wait3A_64 = arith.constant 0 : i32
    %dma_wait3A_65 = arith.constant 0 : i32
    %dma_wait3A_66 = tpu.memref_slice %arg2[%dma_wait3A_64, %dma_wait3A_65] : memref<100000x128xf32, #tpu.memory_space<hbm>> -> memref<100000x128xf32, #tpu.memory_space<hbm>>
    tpu.wait_indirect_dma semaphore(%arg9 : memref<!tpu.dma_semaphore, #tpu.memory_space<semaphore_mem>>) src(%dma_wait3A_66 : memref<100000x128xf32, #tpu.memory_space<hbm>>) dst(%arg8 : memref<256x128xf32, #tpu.memory_space<vmem>>)
    %add3A_67 = arith.constant 2 : i32
    %add3A_68 = arith.addi %mul3A_2, %add3A_67 : i32
    %dma_start3A_69 = arith.constant 0 : i32
    %dma_start3A_70 = tpu.memref_slice %arg4[%add3A_68, %mul3A_4, %dma_start3A_69] : memref<50x4096x128xf32, #tpu.memory_space<hbm>> -> memref<1x256x128xf32, #tpu.memory_space<hbm>>
    %dma_start3A_71 = tpu.memref_squeeze %dma_start3A_70 : memref<1x256x128xf32, #tpu.memory_space<hbm>> -> memref<256x128xf32, #tpu.memory_space<hbm>>
    %dma_start3A_72 = arith.constant 0 : i32
    %dma_start3A_73 = tpu.memref_slice %arg4[%add3A_68, %mul3A_4, %dma_start3A_72] : memref<50x4096x128xf32, #tpu.memory_space<hbm>> -> memref<1x256x128xf32, #tpu.memory_space<hbm>>
    %dma_start3A_74 = tpu.memref_squeeze %dma_start3A_73 : memref<1x256x128xf32, #tpu.memory_space<hbm>> -> memref<256x128xf32, #tpu.memory_space<hbm>>
    tpu.enqueue_dma source(%arg8 : memref<256x128xf32, #tpu.memory_space<vmem>>) target(%dma_start3A_74 : memref<256x128xf32, #tpu.memory_space<hbm>>) target_semaphore(%arg10 : memref<!tpu.dma_semaphore, #tpu.memory_space<semaphore_mem>>)
    %dma_wait3A_75 = arith.constant 0 : i32
    %dma_wait3A_76 = tpu.memref_slice %arg4[%add3A_44, %mul3A_4, %dma_wait3A_75] : memref<50x4096x128xf32, #tpu.memory_space<hbm>> -> memref<1x256x128xf32, #tpu.memory_space<hbm>>
    %dma_wait3A_77 = tpu.memref_squeeze %dma_wait3A_76 : memref<1x256x128xf32, #tpu.memory_space<hbm>> -> memref<256x128xf32, #tpu.memory_space<hbm>>
    %dma_wait3A_78 = arith.constant 0 : i32
    %dma_wait3A_79 = tpu.memref_slice %arg4[%add3A_44, %mul3A_4, %dma_wait3A_78] : memref<50x4096x128xf32, #tpu.memory_space<hbm>> -> memref<1x256x128xf32, #tpu.memory_space<hbm>>
    %dma_wait3A_80 = tpu.memref_squeeze %dma_wait3A_79 : memref<1x256x128xf32, #tpu.memory_space<hbm>> -> memref<256x128xf32, #tpu.memory_space<hbm>>
    tpu.wait_dma2 semaphore(%arg10 : memref<!tpu.dma_semaphore, #tpu.memory_space<semaphore_mem>>) src(%arg7 : memref<256x128xf32, #tpu.memory_space<vmem>>) dst(%dma_wait3A_80 : memref<256x128xf32, #tpu.memory_space<hbm>>)
    %dma_start3A_81 = arith.constant 1280 : i32
    %dma_start3A_82 = tpu.memref_slice %arg5[%dma_start3A_81] : memref<6400xi32, #tpu.memory_space<vmem>> -> memref<256xi32, #tpu.memory_space<vmem>>
    %dma_start3A_83 = arith.constant 0 : i32
    %dma_start3A_84 = arith.constant 0 : i32
    %dma_start3A_85 = tpu.memref_slice %arg2[%dma_start3A_83, %dma_start3A_84] : memref<100000x128xf32, #tpu.memory_space<hbm>> -> memref<100000x128xf32, #tpu.memory_space<hbm>>
    tpu.enqueue_indirect_dma source(%dma_start3A_85 : memref<100000x128xf32, #tpu.memory_space<hbm>>) target(%arg8 : memref<256x128xf32, #tpu.memory_space<vmem>>) offsets(%dma_start3A_82 : memref<256xi32, #tpu.memory_space<vmem>>) semaphore(%arg9 : memref<!tpu.dma_semaphore, #tpu.memory_space<semaphore_mem>>)
    %dma_wait3A_86 = arith.constant 768 : i32
    %dma_wait3A_87 = tpu.memref_slice %arg5[%dma_wait3A_86] : memref<6400xi32, #tpu.memory_space<vmem>> -> memref<256xi32, #tpu.memory_space<vmem>>
    %dma_wait3A_88 = arith.constant 0 : i32
    %dma_wait3A_89 = arith.constant 0 : i32
    %dma_wait3A_90 = tpu.memref_slice %arg2[%dma_wait3A_88, %dma_wait3A_89] : memref<100000x128xf32, #tpu.memory_space<hbm>> -> memref<100000x128xf32, #tpu.memory_space<hbm>>
    tpu.wait_indirect_dma semaphore(%arg9 : memref<!tpu.dma_semaphore, #tpu.memory_space<semaphore_mem>>) src(%dma_wait3A_90 : memref<100000x128xf32, #tpu.memory_space<hbm>>) dst(%arg6 : memref<256x128xf32, #tpu.memory_space<vmem>>)
    %add3A_91 = arith.constant 3 : i32
    %add3A_92 = arith.addi %mul3A_2, %add3A_91 : i32
    %dma_start3A_93 = arith.constant 0 : i32
    %dma_start3A_94 = tpu.memref_slice %arg4[%add3A_92, %mul3A_4, %dma_start3A_93] : memref<50x4096x128xf32, #tpu.memory_space<hbm>> -> memref<1x256x128xf32, #tpu.memory_space<hbm>>
    %dma_start3A_95 = tpu.memref_squeeze %dma_start3A_94 : memref<1x256x128xf32, #tpu.memory_space<hbm>> -> memref<256x128xf32, #tpu.memory_space<hbm>>
    %dma_start3A_96 = arith.constant 0 : i32
    %dma_start3A_97 = tpu.memref_slice %arg4[%add3A_92, %mul3A_4, %dma_start3A_96] : memref<50x4096x128xf32, #tpu.memory_space<hbm>> -> memref<1x256x128xf32, #tpu.memory_space<hbm>>
    %dma_start3A_98 = tpu.memref_squeeze %dma_start3A_97 : memref<1x256x128xf32, #tpu.memory_space<hbm>> -> memref<256x128xf32, #tpu.memory_space<hbm>>
    tpu.enqueue_dma source(%arg6 : memref<256x128xf32, #tpu.memory_space<vmem>>) target(%dma_start3A_98 : memref<256x128xf32, #tpu.memory_space<hbm>>) target_semaphore(%arg10 : memref<!tpu.dma_semaphore, #tpu.memory_space<semaphore_mem>>)
    %dma_wait3A_99 = arith.constant 0 : i32
    %dma_wait3A_100 = tpu.memref_slice %arg4[%add3A_68, %mul3A_4, %dma_wait3A_99] : memref<50x4096x128xf32, #tpu.memory_space<hbm>> -> memref<1x256x128xf32, #tpu.memory_space<hbm>>
    %dma_wait3A_101 = tpu.memref_squeeze %dma_wait3A_100 : memref<1x256x128xf32, #tpu.memory_space<hbm>> -> memref<256x128xf32, #tpu.memory_space<hbm>>
    %dma_wait3A_102 = arith.constant 0 : i32
    %dma_wait3A_103 = tpu.memref_slice %arg4[%add3A_68, %mul3A_4, %dma_wait3A_102] : memref<50x4096x128xf32, #tpu.memory_space<hbm>> -> memref<1x256x128xf32, #tpu.memory_space<hbm>>
    %dma_wait3A_104 = tpu.memref_squeeze %dma_wait3A_103 : memref<1x256x128xf32, #tpu.memory_space<hbm>> -> memref<256x128xf32, #tpu.memory_space<hbm>>
    tpu.wait_dma2 semaphore(%arg10 : memref<!tpu.dma_semaphore, #tpu.memory_space<semaphore_mem>>) src(%arg8 : memref<256x128xf32, #tpu.memory_space<vmem>>) dst(%dma_wait3A_104 : memref<256x128xf32, #tpu.memory_space<hbm>>)
    %dma_start3A_105 = arith.constant 1536 : i32
    %dma_start3A_106 = tpu.memref_slice %arg5[%dma_start3A_105] : memref<6400xi32, #tpu.memory_space<vmem>> -> memref<256xi32, #tpu.memory_space<vmem>>
    %dma_start3A_107 = arith.constant 0 : i32
    %dma_start3A_108 = arith.constant 0 : i32
    %dma_start3A_109 = tpu.memref_slice %arg2[%dma_start3A_107, %dma_start3A_108] : memref<100000x128xf32, #tpu.memory_space<hbm>> -> memref<100000x128xf32, #tpu.memory_space<hbm>>
    tpu.enqueue_indirect_dma source(%dma_start3A_109 : memref<100000x128xf32, #tpu.memory_space<hbm>>) target(%arg6 : memref<256x128xf32, #tpu.memory_space<vmem>>) offsets(%dma_start3A_106 : memref<256xi32, #tpu.memory_space<vmem>>) semaphore(%arg9 : memref<!tpu.dma_semaphore, #tpu.memory_space<semaphore_mem>>)
    %dma_wait3A_110 = arith.constant 1024 : i32
    %dma_wait3A_111 = tpu.memref_slice %arg5[%dma_wait3A_110] : memref<6400xi32, #tpu.memory_space<vmem>> -> memref<256xi32, #tpu.memory_space<vmem>>
    %dma_wait3A_112 = arith.constant 0 : i32
    %dma_wait3A_113 = arith.constant 0 : i32
    %dma_wait3A_114 = tpu.memref_slice %arg2[%dma_wait3A_112, %dma_wait3A_113] : memref<100000x128xf32, #tpu.memory_space<hbm>> -> memref<100000x128xf32, #tpu.memory_space<hbm>>
    tpu.wait_indirect_dma semaphore(%arg9 : memref<!tpu.dma_semaphore, #tpu.memory_space<semaphore_mem>>) src(%dma_wait3A_114 : memref<100000x128xf32, #tpu.memory_space<hbm>>) dst(%arg7 : memref<256x128xf32, #tpu.memory_space<vmem>>)
    %add3A_115 = arith.constant 4 : i32
    %add3A_116 = arith.addi %mul3A_2, %add3A_115 : i32
    %dma_start3A_117 = arith.constant 0 : i32
    %dma_start3A_118 = tpu.memref_slice %arg4[%add3A_116, %mul3A_4, %dma_start3A_117] : memref<50x4096x128xf32, #tpu.memory_space<hbm>> -> memref<1x256x128xf32, #tpu.memory_space<hbm>>
    %dma_start3A_119 = tpu.memref_squeeze %dma_start3A_118 : memref<1x256x128xf32, #tpu.memory_space<hbm>> -> memref<256x128xf32, #tpu.memory_space<hbm>>
    %dma_start3A_120 = arith.constant 0 : i32
    %dma_start3A_121 = tpu.memref_slice %arg4[%add3A_116, %mul3A_4, %dma_start3A_120] : memref<50x4096x128xf32, #tpu.memory_space<hbm>> -> memref<1x256x128xf32, #tpu.memory_space<hbm>>
    %dma_start3A_122 = tpu.memref_squeeze %dma_start3A_121 : memref<1x256x128xf32, #tpu.memory_space<hbm>> -> memref<256x128xf32, #tpu.memory_space<hbm>>
    tpu.enqueue_dma source(%arg7 : memref<256x128xf32, #tpu.memory_space<vmem>>) target(%dma_start3A_122 : memref<256x128xf32, #tpu.memory_space<hbm>>) target_semaphore(%arg10 : memref<!tpu.dma_semaphore, #tpu.memory_space<semaphore_mem>>)
    %dma_wait3A_123 = arith.constant 0 : i32
    %dma_wait3A_124 = tpu.memref_slice %arg4[%add3A_92, %mul3A_4, %dma_wait3A_123] : memref<50x4096x128xf32, #tpu.memory_space<hbm>> -> memref<1x256x128xf32, #tpu.memory_space<hbm>>
    %dma_wait3A_125 = tpu.memref_squeeze %dma_wait3A_124 : memref<1x256x128xf32, #tpu.memory_space<hbm>> -> memref<256x128xf32, #tpu.memory_space<hbm>>
    %dma_wait3A_126 = arith.constant 0 : i32
    %dma_wait3A_127 = tpu.memref_slice %arg4[%add3A_92, %mul3A_4, %dma_wait3A_126] : memref<50x4096x128xf32, #tpu.memory_space<hbm>> -> memref<1x256x128xf32, #tpu.memory_space<hbm>>
    %dma_wait3A_128 = tpu.memref_squeeze %dma_wait3A_127 : memref<1x256x128xf32, #tpu.memory_space<hbm>> -> memref<256x128xf32, #tpu.memory_space<hbm>>
    tpu.wait_dma2 semaphore(%arg10 : memref<!tpu.dma_semaphore, #tpu.memory_space<semaphore_mem>>) src(%arg6 : memref<256x128xf32, #tpu.memory_space<vmem>>) dst(%dma_wait3A_128 : memref<256x128xf32, #tpu.memory_space<hbm>>)
    %dma_start3A_129 = arith.constant 1792 : i32
    %dma_start3A_130 = tpu.memref_slice %arg5[%dma_start3A_129] : memref<6400xi32, #tpu.memory_space<vmem>> -> memref<256xi32, #tpu.memory_space<vmem>>
    %dma_start3A_131 = arith.constant 0 : i32
    %dma_start3A_132 = arith.constant 0 : i32
    %dma_start3A_133 = tpu.memref_slice %arg2[%dma_start3A_131, %dma_start3A_132] : memref<100000x128xf32, #tpu.memory_space<hbm>> -> memref<100000x128xf32, #tpu.memory_space<hbm>>
    tpu.enqueue_indirect_dma source(%dma_start3A_133 : memref<100000x128xf32, #tpu.memory_space<hbm>>) target(%arg7 : memref<256x128xf32, #tpu.memory_space<vmem>>) offsets(%dma_start3A_130 : memref<256xi32, #tpu.memory_space<vmem>>) semaphore(%arg9 : memref<!tpu.dma_semaphore, #tpu.memory_space<semaphore_mem>>)
    %dma_wait3A_134 = arith.constant 1280 : i32
    %dma_wait3A_135 = tpu.memref_slice %arg5[%dma_wait3A_134] : memref<6400xi32, #tpu.memory_space<vmem>> -> memref<256xi32, #tpu.memory_space<vmem>>
    %dma_wait3A_136 = arith.constant 0 : i32
    %dma_wait3A_137 = arith.constant 0 : i32
    %dma_wait3A_138 = tpu.memref_slice %arg2[%dma_wait3A_136, %dma_wait3A_137] : memref<100000x128xf32, #tpu.memory_space<hbm>> -> memref<100000x128xf32, #tpu.memory_space<hbm>>
    tpu.wait_indirect_dma semaphore(%arg9 : memref<!tpu.dma_semaphore, #tpu.memory_space<semaphore_mem>>) src(%dma_wait3A_138 : memref<100000x128xf32, #tpu.memory_space<hbm>>) dst(%arg8 : memref<256x128xf32, #tpu.memory_space<vmem>>)
    %add3A_139 = arith.constant 5 : i32
    %add3A_140 = arith.addi %mul3A_2, %add3A_139 : i32
    %dma_start3A_141 = arith.constant 0 : i32
    %dma_start3A_142 = tpu.memref_slice %arg4[%add3A_140, %mul3A_4, %dma_start3A_141] : memref<50x4096x128xf32, #tpu.memory_space<hbm>> -> memref<1x256x128xf32, #tpu.memory_space<hbm>>
    %dma_start3A_143 = tpu.memref_squeeze %dma_start3A_142 : memref<1x256x128xf32, #tpu.memory_space<hbm>> -> memref<256x128xf32, #tpu.memory_space<hbm>>
    %dma_start3A_144 = arith.constant 0 : i32
    %dma_start3A_145 = tpu.memref_slice %arg4[%add3A_140, %mul3A_4, %dma_start3A_144] : memref<50x4096x128xf32, #tpu.memory_space<hbm>> -> memref<1x256x128xf32, #tpu.memory_space<hbm>>
    %dma_start3A_146 = tpu.memref_squeeze %dma_start3A_145 : memref<1x256x128xf32, #tpu.memory_space<hbm>> -> memref<256x128xf32, #tpu.memory_space<hbm>>
    tpu.enqueue_dma source(%arg8 : memref<256x128xf32, #tpu.memory_space<vmem>>) target(%dma_start3A_146 : memref<256x128xf32, #tpu.memory_space<hbm>>) target_semaphore(%arg10 : memref<!tpu.dma_semaphore, #tpu.memory_space<semaphore_mem>>)
    %dma_wait3A_147 = arith.constant 0 : i32
    %dma_wait3A_148 = tpu.memref_slice %arg4[%add3A_116, %mul3A_4, %dma_wait3A_147] : memref<50x4096x128xf32, #tpu.memory_space<hbm>> -> memref<1x256x128xf32, #tpu.memory_space<hbm>>
    %dma_wait3A_149 = tpu.memref_squeeze %dma_wait3A_148 : memref<1x256x128xf32, #tpu.memory_space<hbm>> -> memref<256x128xf32, #tpu.memory_space<hbm>>
    %dma_wait3A_150 = arith.constant 0 : i32
    %dma_wait3A_151 = tpu.memref_slice %arg4[%add3A_116, %mul3A_4, %dma_wait3A_150] : memref<50x4096x128xf32, #tpu.memory_space<hbm>> -> memref<1x256x128xf32, #tpu.memory_space<hbm>>
    %dma_wait3A_152 = tpu.memref_squeeze %dma_wait3A_151 : memref<1x256x128xf32, #tpu.memory_space<hbm>> -> memref<256x128xf32, #tpu.memory_space<hbm>>
    tpu.wait_dma2 semaphore(%arg10 : memref<!tpu.dma_semaphore, #tpu.memory_space<semaphore_mem>>) src(%arg7 : memref<256x128xf32, #tpu.memory_space<vmem>>) dst(%dma_wait3A_152 : memref<256x128xf32, #tpu.memory_space<hbm>>)
    %dma_start3A_153 = arith.constant 2048 : i32
    %dma_start3A_154 = tpu.memref_slice %arg5[%dma_start3A_153] : memref<6400xi32, #tpu.memory_space<vmem>> -> memref<256xi32, #tpu.memory_space<vmem>>
    %dma_start3A_155 = arith.constant 0 : i32
    %dma_start3A_156 = arith.constant 0 : i32
    %dma_start3A_157 = tpu.memref_slice %arg2[%dma_start3A_155, %dma_start3A_156] : memref<100000x128xf32, #tpu.memory_space<hbm>> -> memref<100000x128xf32, #tpu.memory_space<hbm>>
    tpu.enqueue_indirect_dma source(%dma_start3A_157 : memref<100000x128xf32, #tpu.memory_space<hbm>>) target(%arg8 : memref<256x128xf32, #tpu.memory_space<vmem>>) offsets(%dma_start3A_154 : memref<256xi32, #tpu.memory_space<vmem>>) semaphore(%arg9 : memref<!tpu.dma_semaphore, #tpu.memory_space<semaphore_mem>>)
    %dma_wait3A_158 = arith.constant 1536 : i32
    %dma_wait3A_159 = tpu.memref_slice %arg5[%dma_wait3A_158] : memref<6400xi32, #tpu.memory_space<vmem>> -> memref<256xi32, #tpu.memory_space<vmem>>
    %dma_wait3A_160 = arith.constant 0 : i32
    %dma_wait3A_161 = arith.constant 0 : i32
    %dma_wait3A_162 = tpu.memref_slice %arg2[%dma_wait3A_160, %dma_wait3A_161] : memref<100000x128xf32, #tpu.memory_space<hbm>> -> memref<100000x128xf32, #tpu.memory_space<hbm>>
    tpu.wait_indirect_dma semaphore(%arg9 : memref<!tpu.dma_semaphore, #tpu.memory_space<semaphore_mem>>) src(%dma_wait3A_162 : memref<100000x128xf32, #tpu.memory_space<hbm>>) dst(%arg6 : memref<256x128xf32, #tpu.memory_space<vmem>>)
    %add3A_163 = arith.constant 6 : i32
    %add3A_164 = arith.addi %mul3A_2, %add3A_163 : i32
    %dma_start3A_165 = arith.constant 0 : i32
    %dma_start3A_166 = tpu.memref_slice %arg4[%add3A_164, %mul3A_4, %dma_start3A_165] : memref<50x4096x128xf32, #tpu.memory_space<hbm>> -> memref<1x256x128xf32, #tpu.memory_space<hbm>>
    %dma_start3A_167 = tpu.memref_squeeze %dma_start3A_166 : memref<1x256x128xf32, #tpu.memory_space<hbm>> -> memref<256x128xf32, #tpu.memory_space<hbm>>
    %dma_start3A_168 = arith.constant 0 : i32
    %dma_start3A_169 = tpu.memref_slice %arg4[%add3A_164, %mul3A_4, %dma_start3A_168] : memref<50x4096x128xf32, #tpu.memory_space<hbm>> -> memref<1x256x128xf32, #tpu.memory_space<hbm>>
    %dma_start3A_170 = tpu.memref_squeeze %dma_start3A_169 : memref<1x256x128xf32, #tpu.memory_space<hbm>> -> memref<256x128xf32, #tpu.memory_space<hbm>>
    tpu.enqueue_dma source(%arg6 : memref<256x128xf32, #tpu.memory_space<vmem>>) target(%dma_start3A_170 : memref<256x128xf32, #tpu.memory_space<hbm>>) target_semaphore(%arg10 : memref<!tpu.dma_semaphore, #tpu.memory_space<semaphore_mem>>)
    %dma_wait3A_171 = arith.constant 0 : i32
    %dma_wait3A_172 = tpu.memref_slice %arg4[%add3A_140, %mul3A_4, %dma_wait3A_171] : memref<50x4096x128xf32, #tpu.memory_space<hbm>> -> memref<1x256x128xf32, #tpu.memory_space<hbm>>
    %dma_wait3A_173 = tpu.memref_squeeze %dma_wait3A_172 : memref<1x256x128xf32, #tpu.memory_space<hbm>> -> memref<256x128xf32, #tpu.memory_space<hbm>>
    %dma_wait3A_174 = arith.constant 0 : i32
    %dma_wait3A_175 = tpu.memref_slice %arg4[%add3A_140, %mul3A_4, %dma_wait3A_174] : memref<50x4096x128xf32, #tpu.memory_space<hbm>> -> memref<1x256x128xf32, #tpu.memory_space<hbm>>
    %dma_wait3A_176 = tpu.memref_squeeze %dma_wait3A_175 : memref<1x256x128xf32, #tpu.memory_space<hbm>> -> memref<256x128xf32, #tpu.memory_space<hbm>>
    tpu.wait_dma2 semaphore(%arg10 : memref<!tpu.dma_semaphore, #tpu.memory_space<semaphore_mem>>) src(%arg8 : memref<256x128xf32, #tpu.memory_space<vmem>>) dst(%dma_wait3A_176 : memref<256x128xf32, #tpu.memory_space<hbm>>)
    %dma_start3A_177 = arith.constant 2304 : i32
    %dma_start3A_178 = tpu.memref_slice %arg5[%dma_start3A_177] : memref<6400xi32, #tpu.memory_space<vmem>> -> memref<256xi32, #tpu.memory_space<vmem>>
    %dma_start3A_179 = arith.constant 0 : i32
    %dma_start3A_180 = arith.constant 0 : i32
    %dma_start3A_181 = tpu.memref_slice %arg2[%dma_start3A_179, %dma_start3A_180] : memref<100000x128xf32, #tpu.memory_space<hbm>> -> memref<100000x128xf32, #tpu.memory_space<hbm>>
    tpu.enqueue_indirect_dma source(%dma_start3A_181 : memref<100000x128xf32, #tpu.memory_space<hbm>>) target(%arg6 : memref<256x128xf32, #tpu.memory_space<vmem>>) offsets(%dma_start3A_178 : memref<256xi32, #tpu.memory_space<vmem>>) semaphore(%arg9 : memref<!tpu.dma_semaphore, #tpu.memory_space<semaphore_mem>>)
    %dma_wait3A_182 = arith.constant 1792 : i32
    %dma_wait3A_183 = tpu.memref_slice %arg5[%dma_wait3A_182] : memref<6400xi32, #tpu.memory_space<vmem>> -> memref<256xi32, #tpu.memory_space<vmem>>
    %dma_wait3A_184 = arith.constant 0 : i32
    %dma_wait3A_185 = arith.constant 0 : i32
    %dma_wait3A_186 = tpu.memref_slice %arg2[%dma_wait3A_184, %dma_wait3A_185] : memref<100000x128xf32, #tpu.memory_space<hbm>> -> memref<100000x128xf32, #tpu.memory_space<hbm>>
    tpu.wait_indirect_dma semaphore(%arg9 : memref<!tpu.dma_semaphore, #tpu.memory_space<semaphore_mem>>) src(%dma_wait3A_186 : memref<100000x128xf32, #tpu.memory_space<hbm>>) dst(%arg7 : memref<256x128xf32, #tpu.memory_space<vmem>>)
    %add3A_187 = arith.constant 7 : i32
    %add3A_188 = arith.addi %mul3A_2, %add3A_187 : i32
    %dma_start3A_189 = arith.constant 0 : i32
    %dma_start3A_190 = tpu.memref_slice %arg4[%add3A_188, %mul3A_4, %dma_start3A_189] : memref<50x4096x128xf32, #tpu.memory_space<hbm>> -> memref<1x256x128xf32, #tpu.memory_space<hbm>>
    %dma_start3A_191 = tpu.memref_squeeze %dma_start3A_190 : memref<1x256x128xf32, #tpu.memory_space<hbm>> -> memref<256x128xf32, #tpu.memory_space<hbm>>
    %dma_start3A_192 = arith.constant 0 : i32
    %dma_start3A_193 = tpu.memref_slice %arg4[%add3A_188, %mul3A_4, %dma_start3A_192] : memref<50x4096x128xf32, #tpu.memory_space<hbm>> -> memref<1x256x128xf32, #tpu.memory_space<hbm>>
    %dma_start3A_194 = tpu.memref_squeeze %dma_start3A_193 : memref<1x256x128xf32, #tpu.memory_space<hbm>> -> memref<256x128xf32, #tpu.memory_space<hbm>>
    tpu.enqueue_dma source(%arg7 : memref<256x128xf32, #tpu.memory_space<vmem>>) target(%dma_start3A_194 : memref<256x128xf32, #tpu.memory_space<hbm>>) target_semaphore(%arg10 : memref<!tpu.dma_semaphore, #tpu.memory_space<semaphore_mem>>)
    %dma_wait3A_195 = arith.constant 0 : i32
    %dma_wait3A_196 = tpu.memref_slice %arg4[%add3A_164, %mul3A_4, %dma_wait3A_195] : memref<50x4096x128xf32, #tpu.memory_space<hbm>> -> memref<1x256x128xf32, #tpu.memory_space<hbm>>
    %dma_wait3A_197 = tpu.memref_squeeze %dma_wait3A_196 : memref<1x256x128xf32, #tpu.memory_space<hbm>> -> memref<256x128xf32, #tpu.memory_space<hbm>>
    %dma_wait3A_198 = arith.constant 0 : i32
    %dma_wait3A_199 = tpu.memref_slice %arg4[%add3A_164, %mul3A_4, %dma_wait3A_198] : memref<50x4096x128xf32, #tpu.memory_space<hbm>> -> memref<1x256x128xf32, #tpu.memory_space<hbm>>
    %dma_wait3A_200 = tpu.memref_squeeze %dma_wait3A_199 : memref<1x256x128xf32, #tpu.memory_space<hbm>> -> memref<256x128xf32, #tpu.memory_space<hbm>>
    tpu.wait_dma2 semaphore(%arg10 : memref<!tpu.dma_semaphore, #tpu.memory_space<semaphore_mem>>) src(%arg6 : memref<256x128xf32, #tpu.memory_space<vmem>>) dst(%dma_wait3A_200 : memref<256x128xf32, #tpu.memory_space<hbm>>)
    %dma_start3A_201 = arith.constant 2560 : i32
    %dma_start3A_202 = tpu.memref_slice %arg5[%dma_start3A_201] : memref<6400xi32, #tpu.memory_space<vmem>> -> memref<256xi32, #tpu.memory_space<vmem>>
    %dma_start3A_203 = arith.constant 0 : i32
    %dma_start3A_204 = arith.constant 0 : i32
    %dma_start3A_205 = tpu.memref_slice %arg2[%dma_start3A_203, %dma_start3A_204] : memref<100000x128xf32, #tpu.memory_space<hbm>> -> memref<100000x128xf32, #tpu.memory_space<hbm>>
    tpu.enqueue_indirect_dma source(%dma_start3A_205 : memref<100000x128xf32, #tpu.memory_space<hbm>>) target(%arg7 : memref<256x128xf32, #tpu.memory_space<vmem>>) offsets(%dma_start3A_202 : memref<256xi32, #tpu.memory_space<vmem>>) semaphore(%arg9 : memref<!tpu.dma_semaphore, #tpu.memory_space<semaphore_mem>>)
    %dma_wait3A_206 = arith.constant 2048 : i32
    %dma_wait3A_207 = tpu.memref_slice %arg5[%dma_wait3A_206] : memref<6400xi32, #tpu.memory_space<vmem>> -> memref<256xi32, #tpu.memory_space<vmem>>
    %dma_wait3A_208 = arith.constant 0 : i32
    %dma_wait3A_209 = arith.constant 0 : i32
    %dma_wait3A_210 = tpu.memref_slice %arg2[%dma_wait3A_208, %dma_wait3A_209] : memref<100000x128xf32, #tpu.memory_space<hbm>> -> memref<100000x128xf32, #tpu.memory_space<hbm>>
    tpu.wait_indirect_dma semaphore(%arg9 : memref<!tpu.dma_semaphore, #tpu.memory_space<semaphore_mem>>) src(%dma_wait3A_210 : memref<100000x128xf32, #tpu.memory_space<hbm>>) dst(%arg8 : memref<256x128xf32, #tpu.memory_space<vmem>>)
    %add3A_211 = arith.constant 8 : i32
    %add3A_212 = arith.addi %mul3A_2, %add3A_211 : i32
    %dma_start3A_213 = arith.constant 0 : i32
    %dma_start3A_214 = tpu.memref_slice %arg4[%add3A_212, %mul3A_4, %dma_start3A_213] : memref<50x4096x128xf32, #tpu.memory_space<hbm>> -> memref<1x256x128xf32, #tpu.memory_space<hbm>>
    %dma_start3A_215 = tpu.memref_squeeze %dma_start3A_214 : memref<1x256x128xf32, #tpu.memory_space<hbm>> -> memref<256x128xf32, #tpu.memory_space<hbm>>
    %dma_start3A_216 = arith.constant 0 : i32
    %dma_start3A_217 = tpu.memref_slice %arg4[%add3A_212, %mul3A_4, %dma_start3A_216] : memref<50x4096x128xf32, #tpu.memory_space<hbm>> -> memref<1x256x128xf32, #tpu.memory_space<hbm>>
    %dma_start3A_218 = tpu.memref_squeeze %dma_start3A_217 : memref<1x256x128xf32, #tpu.memory_space<hbm>> -> memref<256x128xf32, #tpu.memory_space<hbm>>
    tpu.enqueue_dma source(%arg8 : memref<256x128xf32, #tpu.memory_space<vmem>>) target(%dma_start3A_218 : memref<256x128xf32, #tpu.memory_space<hbm>>) target_semaphore(%arg10 : memref<!tpu.dma_semaphore, #tpu.memory_space<semaphore_mem>>)
    %dma_wait3A_219 = arith.constant 0 : i32
    %dma_wait3A_220 = tpu.memref_slice %arg4[%add3A_188, %mul3A_4, %dma_wait3A_219] : memref<50x4096x128xf32, #tpu.memory_space<hbm>> -> memref<1x256x128xf32, #tpu.memory_space<hbm>>
    %dma_wait3A_221 = tpu.memref_squeeze %dma_wait3A_220 : memref<1x256x128xf32, #tpu.memory_space<hbm>> -> memref<256x128xf32, #tpu.memory_space<hbm>>
    %dma_wait3A_222 = arith.constant 0 : i32
    %dma_wait3A_223 = tpu.memref_slice %arg4[%add3A_188, %mul3A_4, %dma_wait3A_222] : memref<50x4096x128xf32, #tpu.memory_space<hbm>> -> memref<1x256x128xf32, #tpu.memory_space<hbm>>
    %dma_wait3A_224 = tpu.memref_squeeze %dma_wait3A_223 : memref<1x256x128xf32, #tpu.memory_space<hbm>> -> memref<256x128xf32, #tpu.memory_space<hbm>>
    tpu.wait_dma2 semaphore(%arg10 : memref<!tpu.dma_semaphore, #tpu.memory_space<semaphore_mem>>) src(%arg7 : memref<256x128xf32, #tpu.memory_space<vmem>>) dst(%dma_wait3A_224 : memref<256x128xf32, #tpu.memory_space<hbm>>)
    %dma_start3A_225 = arith.constant 2816 : i32
    %dma_start3A_226 = tpu.memref_slice %arg5[%dma_start3A_225] : memref<6400xi32, #tpu.memory_space<vmem>> -> memref<256xi32, #tpu.memory_space<vmem>>
    %dma_start3A_227 = arith.constant 0 : i32
    %dma_start3A_228 = arith.constant 0 : i32
    %dma_start3A_229 = tpu.memref_slice %arg2[%dma_start3A_227, %dma_start3A_228] : memref<100000x128xf32, #tpu.memory_space<hbm>> -> memref<100000x128xf32, #tpu.memory_space<hbm>>
    tpu.enqueue_indirect_dma source(%dma_start3A_229 : memref<100000x128xf32, #tpu.memory_space<hbm>>) target(%arg8 : memref<256x128xf32, #tpu.memory_space<vmem>>) offsets(%dma_start3A_226 : memref<256xi32, #tpu.memory_space<vmem>>) semaphore(%arg9 : memref<!tpu.dma_semaphore, #tpu.memory_space<semaphore_mem>>)
    %dma_wait3A_230 = arith.constant 2304 : i32
    %dma_wait3A_231 = tpu.memref_slice %arg5[%dma_wait3A_230] : memref<6400xi32, #tpu.memory_space<vmem>> -> memref<256xi32, #tpu.memory_space<vmem>>
    %dma_wait3A_232 = arith.constant 0 : i32
    %dma_wait3A_233 = arith.constant 0 : i32
    %dma_wait3A_234 = tpu.memref_slice %arg2[%dma_wait3A_232, %dma_wait3A_233] : memref<100000x128xf32, #tpu.memory_space<hbm>> -> memref<100000x128xf32, #tpu.memory_space<hbm>>
    tpu.wait_indirect_dma semaphore(%arg9 : memref<!tpu.dma_semaphore, #tpu.memory_space<semaphore_mem>>) src(%dma_wait3A_234 : memref<100000x128xf32, #tpu.memory_space<hbm>>) dst(%arg6 : memref<256x128xf32, #tpu.memory_space<vmem>>)
    %add3A_235 = arith.constant 9 : i32
    %add3A_236 = arith.addi %mul3A_2, %add3A_235 : i32
    %dma_start3A_237 = arith.constant 0 : i32
    %dma_start3A_238 = tpu.memref_slice %arg4[%add3A_236, %mul3A_4, %dma_start3A_237] : memref<50x4096x128xf32, #tpu.memory_space<hbm>> -> memref<1x256x128xf32, #tpu.memory_space<hbm>>
    %dma_start3A_239 = tpu.memref_squeeze %dma_start3A_238 : memref<1x256x128xf32, #tpu.memory_space<hbm>> -> memref<256x128xf32, #tpu.memory_space<hbm>>
    %dma_start3A_240 = arith.constant 0 : i32
    %dma_start3A_241 = tpu.memref_slice %arg4[%add3A_236, %mul3A_4, %dma_start3A_240] : memref<50x4096x128xf32, #tpu.memory_space<hbm>> -> memref<1x256x128xf32, #tpu.memory_space<hbm>>
    %dma_start3A_242 = tpu.memref_squeeze %dma_start3A_241 : memref<1x256x128xf32, #tpu.memory_space<hbm>> -> memref<256x128xf32, #tpu.memory_space<hbm>>
    tpu.enqueue_dma source(%arg6 : memref<256x128xf32, #tpu.memory_space<vmem>>) target(%dma_start3A_242 : memref<256x128xf32, #tpu.memory_space<hbm>>) target_semaphore(%arg10 : memref<!tpu.dma_semaphore, #tpu.memory_space<semaphore_mem>>)
    %dma_wait3A_243 = arith.constant 0 : i32
    %dma_wait3A_244 = tpu.memref_slice %arg4[%add3A_212, %mul3A_4, %dma_wait3A_243] : memref<50x4096x128xf32, #tpu.memory_space<hbm>> -> memref<1x256x128xf32, #tpu.memory_space<hbm>>
    %dma_wait3A_245 = tpu.memref_squeeze %dma_wait3A_244 : memref<1x256x128xf32, #tpu.memory_space<hbm>> -> memref<256x128xf32, #tpu.memory_space<hbm>>
    %dma_wait3A_246 = arith.constant 0 : i32
    %dma_wait3A_247 = tpu.memref_slice %arg4[%add3A_212, %mul3A_4, %dma_wait3A_246] : memref<50x4096x128xf32, #tpu.memory_space<hbm>> -> memref<1x256x128xf32, #tpu.memory_space<hbm>>
    %dma_wait3A_248 = tpu.memref_squeeze %dma_wait3A_247 : memref<1x256x128xf32, #tpu.memory_space<hbm>> -> memref<256x128xf32, #tpu.memory_space<hbm>>
    tpu.wait_dma2 semaphore(%arg10 : memref<!tpu.dma_semaphore, #tpu.memory_space<semaphore_mem>>) src(%arg8 : memref<256x128xf32, #tpu.memory_space<vmem>>) dst(%dma_wait3A_248 : memref<256x128xf32, #tpu.memory_space<hbm>>)
    %dma_start3A_249 = arith.constant 3072 : i32
    %dma_start3A_250 = tpu.memref_slice %arg5[%dma_start3A_249] : memref<6400xi32, #tpu.memory_space<vmem>> -> memref<256xi32, #tpu.memory_space<vmem>>
    %dma_start3A_251 = arith.constant 0 : i32
    %dma_start3A_252 = arith.constant 0 : i32
    %dma_start3A_253 = tpu.memref_slice %arg2[%dma_start3A_251, %dma_start3A_252] : memref<100000x128xf32, #tpu.memory_space<hbm>> -> memref<100000x128xf32, #tpu.memory_space<hbm>>
    tpu.enqueue_indirect_dma source(%dma_start3A_253 : memref<100000x128xf32, #tpu.memory_space<hbm>>) target(%arg6 : memref<256x128xf32, #tpu.memory_space<vmem>>) offsets(%dma_start3A_250 : memref<256xi32, #tpu.memory_space<vmem>>) semaphore(%arg9 : memref<!tpu.dma_semaphore, #tpu.memory_space<semaphore_mem>>)
    %dma_wait3A_254 = arith.constant 2560 : i32
    %dma_wait3A_255 = tpu.memref_slice %arg5[%dma_wait3A_254] : memref<6400xi32, #tpu.memory_space<vmem>> -> memref<256xi32, #tpu.memory_space<vmem>>
    %dma_wait3A_256 = arith.constant 0 : i32
    %dma_wait3A_257 = arith.constant 0 : i32
    %dma_wait3A_258 = tpu.memref_slice %arg2[%dma_wait3A_256, %dma_wait3A_257] : memref<100000x128xf32, #tpu.memory_space<hbm>> -> memref<100000x128xf32, #tpu.memory_space<hbm>>
    tpu.wait_indirect_dma semaphore(%arg9 : memref<!tpu.dma_semaphore, #tpu.memory_space<semaphore_mem>>) src(%dma_wait3A_258 : memref<100000x128xf32, #tpu.memory_space<hbm>>) dst(%arg7 : memref<256x128xf32, #tpu.memory_space<vmem>>)
    %add3A_259 = arith.constant 10 : i32
    %add3A_260 = arith.addi %mul3A_2, %add3A_259 : i32
    %dma_start3A_261 = arith.constant 0 : i32
    %dma_start3A_262 = tpu.memref_slice %arg4[%add3A_260, %mul3A_4, %dma_start3A_261] : memref<50x4096x128xf32, #tpu.memory_space<hbm>> -> memref<1x256x128xf32, #tpu.memory_space<hbm>>
    %dma_start3A_263 = tpu.memref_squeeze %dma_start3A_262 : memref<1x256x128xf32, #tpu.memory_space<hbm>> -> memref<256x128xf32, #tpu.memory_space<hbm>>
    %dma_start3A_264 = arith.constant 0 : i32
    %dma_start3A_265 = tpu.memref_slice %arg4[%add3A_260, %mul3A_4, %dma_start3A_264] : memref<50x4096x128xf32, #tpu.memory_space<hbm>> -> memref<1x256x128xf32, #tpu.memory_space<hbm>>
    %dma_start3A_266 = tpu.memref_squeeze %dma_start3A_265 : memref<1x256x128xf32, #tpu.memory_space<hbm>> -> memref<256x128xf32, #tpu.memory_space<hbm>>
    tpu.enqueue_dma source(%arg7 : memref<256x128xf32, #tpu.memory_space<vmem>>) target(%dma_start3A_266 : memref<256x128xf32, #tpu.memory_space<hbm>>) target_semaphore(%arg10 : memref<!tpu.dma_semaphore, #tpu.memory_space<semaphore_mem>>)
    %dma_wait3A_267 = arith.constant 0 : i32
    %dma_wait3A_268 = tpu.memref_slice %arg4[%add3A_236, %mul3A_4, %dma_wait3A_267] : memref<50x4096x128xf32, #tpu.memory_space<hbm>> -> memref<1x256x128xf32, #tpu.memory_space<hbm>>
    %dma_wait3A_269 = tpu.memref_squeeze %dma_wait3A_268 : memref<1x256x128xf32, #tpu.memory_space<hbm>> -> memref<256x128xf32, #tpu.memory_space<hbm>>
    %dma_wait3A_270 = arith.constant 0 : i32
    %dma_wait3A_271 = tpu.memref_slice %arg4[%add3A_236, %mul3A_4, %dma_wait3A_270] : memref<50x4096x128xf32, #tpu.memory_space<hbm>> -> memref<1x256x128xf32, #tpu.memory_space<hbm>>
    %dma_wait3A_272 = tpu.memref_squeeze %dma_wait3A_271 : memref<1x256x128xf32, #tpu.memory_space<hbm>> -> memref<256x128xf32, #tpu.memory_space<hbm>>
    tpu.wait_dma2 semaphore(%arg10 : memref<!tpu.dma_semaphore, #tpu.memory_space<semaphore_mem>>) src(%arg6 : memref<256x128xf32, #tpu.memory_space<vmem>>) dst(%dma_wait3A_272 : memref<256x128xf32, #tpu.memory_space<hbm>>)
    %dma_start3A_273 = arith.constant 3328 : i32
    %dma_start3A_274 = tpu.memref_slice %arg5[%dma_start3A_273] : memref<6400xi32, #tpu.memory_space<vmem>> -> memref<256xi32, #tpu.memory_space<vmem>>
    %dma_start3A_275 = arith.constant 0 : i32
    %dma_start3A_276 = arith.constant 0 : i32
    %dma_start3A_277 = tpu.memref_slice %arg2[%dma_start3A_275, %dma_start3A_276] : memref<100000x128xf32, #tpu.memory_space<hbm>> -> memref<100000x128xf32, #tpu.memory_space<hbm>>
    tpu.enqueue_indirect_dma source(%dma_start3A_277 : memref<100000x128xf32, #tpu.memory_space<hbm>>) target(%arg7 : memref<256x128xf32, #tpu.memory_space<vmem>>) offsets(%dma_start3A_274 : memref<256xi32, #tpu.memory_space<vmem>>) semaphore(%arg9 : memref<!tpu.dma_semaphore, #tpu.memory_space<semaphore_mem>>)
    %dma_wait3A_278 = arith.constant 2816 : i32
    %dma_wait3A_279 = tpu.memref_slice %arg5[%dma_wait3A_278] : memref<6400xi32, #tpu.memory_space<vmem>> -> memref<256xi32, #tpu.memory_space<vmem>>
    %dma_wait3A_280 = arith.constant 0 : i32
    %dma_wait3A_281 = arith.constant 0 : i32
    %dma_wait3A_282 = tpu.memref_slice %arg2[%dma_wait3A_280, %dma_wait3A_281] : memref<100000x128xf32, #tpu.memory_space<hbm>> -> memref<100000x128xf32, #tpu.memory_space<hbm>>
    tpu.wait_indirect_dma semaphore(%arg9 : memref<!tpu.dma_semaphore, #tpu.memory_space<semaphore_mem>>) src(%dma_wait3A_282 : memref<100000x128xf32, #tpu.memory_space<hbm>>) dst(%arg8 : memref<256x128xf32, #tpu.memory_space<vmem>>)
    %add3A_283 = arith.constant 11 : i32
    %add3A_284 = arith.addi %mul3A_2, %add3A_283 : i32
    %dma_start3A_285 = arith.constant 0 : i32
    %dma_start3A_286 = tpu.memref_slice %arg4[%add3A_284, %mul3A_4, %dma_start3A_285] : memref<50x4096x128xf32, #tpu.memory_space<hbm>> -> memref<1x256x128xf32, #tpu.memory_space<hbm>>
    %dma_start3A_287 = tpu.memref_squeeze %dma_start3A_286 : memref<1x256x128xf32, #tpu.memory_space<hbm>> -> memref<256x128xf32, #tpu.memory_space<hbm>>
    %dma_start3A_288 = arith.constant 0 : i32
    %dma_start3A_289 = tpu.memref_slice %arg4[%add3A_284, %mul3A_4, %dma_start3A_288] : memref<50x4096x128xf32, #tpu.memory_space<hbm>> -> memref<1x256x128xf32, #tpu.memory_space<hbm>>
    %dma_start3A_290 = tpu.memref_squeeze %dma_start3A_289 : memref<1x256x128xf32, #tpu.memory_space<hbm>> -> memref<256x128xf32, #tpu.memory_space<hbm>>
    tpu.enqueue_dma source(%arg8 : memref<256x128xf32, #tpu.memory_space<vmem>>) target(%dma_start3A_290 : memref<256x128xf32, #tpu.memory_space<hbm>>) target_semaphore(%arg10 : memref<!tpu.dma_semaphore, #tpu.memory_space<semaphore_mem>>)
    %dma_wait3A_291 = arith.constant 0 : i32
    %dma_wait3A_292 = tpu.memref_slice %arg4[%add3A_260, %mul3A_4, %dma_wait3A_291] : memref<50x4096x128xf32, #tpu.memory_space<hbm>> -> memref<1x256x128xf32, #tpu.memory_space<hbm>>
    %dma_wait3A_293 = tpu.memref_squeeze %dma_wait3A_292 : memref<1x256x128xf32, #tpu.memory_space<hbm>> -> memref<256x128xf32, #tpu.memory_space<hbm>>
    %dma_wait3A_294 = arith.constant 0 : i32
    %dma_wait3A_295 = tpu.memref_slice %arg4[%add3A_260, %mul3A_4, %dma_wait3A_294] : memref<50x4096x128xf32, #tpu.memory_space<hbm>> -> memref<1x256x128xf32, #tpu.memory_space<hbm>>
    %dma_wait3A_296 = tpu.memref_squeeze %dma_wait3A_295 : memref<1x256x128xf32, #tpu.memory_space<hbm>> -> memref<256x128xf32, #tpu.memory_space<hbm>>
    tpu.wait_dma2 semaphore(%arg10 : memref<!tpu.dma_semaphore, #tpu.memory_space<semaphore_mem>>) src(%arg7 : memref<256x128xf32, #tpu.memory_space<vmem>>) dst(%dma_wait3A_296 : memref<256x128xf32, #tpu.memory_space<hbm>>)
    %dma_start3A_297 = arith.constant 3584 : i32
    %dma_start3A_298 = tpu.memref_slice %arg5[%dma_start3A_297] : memref<6400xi32, #tpu.memory_space<vmem>> -> memref<256xi32, #tpu.memory_space<vmem>>
    %dma_start3A_299 = arith.constant 0 : i32
    %dma_start3A_300 = arith.constant 0 : i32
    %dma_start3A_301 = tpu.memref_slice %arg2[%dma_start3A_299, %dma_start3A_300] : memref<100000x128xf32, #tpu.memory_space<hbm>> -> memref<100000x128xf32, #tpu.memory_space<hbm>>
    tpu.enqueue_indirect_dma source(%dma_start3A_301 : memref<100000x128xf32, #tpu.memory_space<hbm>>) target(%arg8 : memref<256x128xf32, #tpu.memory_space<vmem>>) offsets(%dma_start3A_298 : memref<256xi32, #tpu.memory_space<vmem>>) semaphore(%arg9 : memref<!tpu.dma_semaphore, #tpu.memory_space<semaphore_mem>>)
    %dma_wait3A_302 = arith.constant 3072 : i32
    %dma_wait3A_303 = tpu.memref_slice %arg5[%dma_wait3A_302] : memref<6400xi32, #tpu.memory_space<vmem>> -> memref<256xi32, #tpu.memory_space<vmem>>
    %dma_wait3A_304 = arith.constant 0 : i32
    %dma_wait3A_305 = arith.constant 0 : i32
    %dma_wait3A_306 = tpu.memref_slice %arg2[%dma_wait3A_304, %dma_wait3A_305] : memref<100000x128xf32, #tpu.memory_space<hbm>> -> memref<100000x128xf32, #tpu.memory_space<hbm>>
    tpu.wait_indirect_dma semaphore(%arg9 : memref<!tpu.dma_semaphore, #tpu.memory_space<semaphore_mem>>) src(%dma_wait3A_306 : memref<100000x128xf32, #tpu.memory_space<hbm>>) dst(%arg6 : memref<256x128xf32, #tpu.memory_space<vmem>>)
    %add3A_307 = arith.constant 12 : i32
    %add3A_308 = arith.addi %mul3A_2, %add3A_307 : i32
    %dma_start3A_309 = arith.constant 0 : i32
    %dma_start3A_310 = tpu.memref_slice %arg4[%add3A_308, %mul3A_4, %dma_start3A_309] : memref<50x4096x128xf32, #tpu.memory_space<hbm>> -> memref<1x256x128xf32, #tpu.memory_space<hbm>>
    %dma_start3A_311 = tpu.memref_squeeze %dma_start3A_310 : memref<1x256x128xf32, #tpu.memory_space<hbm>> -> memref<256x128xf32, #tpu.memory_space<hbm>>
    %dma_start3A_312 = arith.constant 0 : i32
    %dma_start3A_313 = tpu.memref_slice %arg4[%add3A_308, %mul3A_4, %dma_start3A_312] : memref<50x4096x128xf32, #tpu.memory_space<hbm>> -> memref<1x256x128xf32, #tpu.memory_space<hbm>>
    %dma_start3A_314 = tpu.memref_squeeze %dma_start3A_313 : memref<1x256x128xf32, #tpu.memory_space<hbm>> -> memref<256x128xf32, #tpu.memory_space<hbm>>
    tpu.enqueue_dma source(%arg6 : memref<256x128xf32, #tpu.memory_space<vmem>>) target(%dma_start3A_314 : memref<256x128xf32, #tpu.memory_space<hbm>>) target_semaphore(%arg10 : memref<!tpu.dma_semaphore, #tpu.memory_space<semaphore_mem>>)
    %dma_wait3A_315 = arith.constant 0 : i32
    %dma_wait3A_316 = tpu.memref_slice %arg4[%add3A_284, %mul3A_4, %dma_wait3A_315] : memref<50x4096x128xf32, #tpu.memory_space<hbm>> -> memref<1x256x128xf32, #tpu.memory_space<hbm>>
    %dma_wait3A_317 = tpu.memref_squeeze %dma_wait3A_316 : memref<1x256x128xf32, #tpu.memory_space<hbm>> -> memref<256x128xf32, #tpu.memory_space<hbm>>
    %dma_wait3A_318 = arith.constant 0 : i32
    %dma_wait3A_319 = tpu.memref_slice %arg4[%add3A_284, %mul3A_4, %dma_wait3A_318] : memref<50x4096x128xf32, #tpu.memory_space<hbm>> -> memref<1x256x128xf32, #tpu.memory_space<hbm>>
    %dma_wait3A_320 = tpu.memref_squeeze %dma_wait3A_319 : memref<1x256x128xf32, #tpu.memory_space<hbm>> -> memref<256x128xf32, #tpu.memory_space<hbm>>
    tpu.wait_dma2 semaphore(%arg10 : memref<!tpu.dma_semaphore, #tpu.memory_space<semaphore_mem>>) src(%arg8 : memref<256x128xf32, #tpu.memory_space<vmem>>) dst(%dma_wait3A_320 : memref<256x128xf32, #tpu.memory_space<hbm>>)
    %dma_start3A_321 = arith.constant 3840 : i32
    %dma_start3A_322 = tpu.memref_slice %arg5[%dma_start3A_321] : memref<6400xi32, #tpu.memory_space<vmem>> -> memref<256xi32, #tpu.memory_space<vmem>>
    %dma_start3A_323 = arith.constant 0 : i32
    %dma_start3A_324 = arith.constant 0 : i32
    %dma_start3A_325 = tpu.memref_slice %arg2[%dma_start3A_323, %dma_start3A_324] : memref<100000x128xf32, #tpu.memory_space<hbm>> -> memref<100000x128xf32, #tpu.memory_space<hbm>>
    tpu.enqueue_indirect_dma source(%dma_start3A_325 : memref<100000x128xf32, #tpu.memory_space<hbm>>) target(%arg6 : memref<256x128xf32, #tpu.memory_space<vmem>>) offsets(%dma_start3A_322 : memref<256xi32, #tpu.memory_space<vmem>>) semaphore(%arg9 : memref<!tpu.dma_semaphore, #tpu.memory_space<semaphore_mem>>)
    %dma_wait3A_326 = arith.constant 3328 : i32
    %dma_wait3A_327 = tpu.memref_slice %arg5[%dma_wait3A_326] : memref<6400xi32, #tpu.memory_space<vmem>> -> memref<256xi32, #tpu.memory_space<vmem>>
    %dma_wait3A_328 = arith.constant 0 : i32
    %dma_wait3A_329 = arith.constant 0 : i32
    %dma_wait3A_330 = tpu.memref_slice %arg2[%dma_wait3A_328, %dma_wait3A_329] : memref<100000x128xf32, #tpu.memory_space<hbm>> -> memref<100000x128xf32, #tpu.memory_space<hbm>>
    tpu.wait_indirect_dma semaphore(%arg9 : memref<!tpu.dma_semaphore, #tpu.memory_space<semaphore_mem>>) src(%dma_wait3A_330 : memref<100000x128xf32, #tpu.memory_space<hbm>>) dst(%arg7 : memref<256x128xf32, #tpu.memory_space<vmem>>)
    %add3A_331 = arith.constant 13 : i32
    %add3A_332 = arith.addi %mul3A_2, %add3A_331 : i32
    %dma_start3A_333 = arith.constant 0 : i32
    %dma_start3A_334 = tpu.memref_slice %arg4[%add3A_332, %mul3A_4, %dma_start3A_333] : memref<50x4096x128xf32, #tpu.memory_space<hbm>> -> memref<1x256x128xf32, #tpu.memory_space<hbm>>
    %dma_start3A_335 = tpu.memref_squeeze %dma_start3A_334 : memref<1x256x128xf32, #tpu.memory_space<hbm>> -> memref<256x128xf32, #tpu.memory_space<hbm>>
    %dma_start3A_336 = arith.constant 0 : i32
    %dma_start3A_337 = tpu.memref_slice %arg4[%add3A_332, %mul3A_4, %dma_start3A_336] : memref<50x4096x128xf32, #tpu.memory_space<hbm>> -> memref<1x256x128xf32, #tpu.memory_space<hbm>>
    %dma_start3A_338 = tpu.memref_squeeze %dma_start3A_337 : memref<1x256x128xf32, #tpu.memory_space<hbm>> -> memref<256x128xf32, #tpu.memory_space<hbm>>
    tpu.enqueue_dma source(%arg7 : memref<256x128xf32, #tpu.memory_space<vmem>>) target(%dma_start3A_338 : memref<256x128xf32, #tpu.memory_space<hbm>>) target_semaphore(%arg10 : memref<!tpu.dma_semaphore, #tpu.memory_space<semaphore_mem>>)
    %dma_wait3A_339 = arith.constant 0 : i32
    %dma_wait3A_340 = tpu.memref_slice %arg4[%add3A_308, %mul3A_4, %dma_wait3A_339] : memref<50x4096x128xf32, #tpu.memory_space<hbm>> -> memref<1x256x128xf32, #tpu.memory_space<hbm>>
    %dma_wait3A_341 = tpu.memref_squeeze %dma_wait3A_340 : memref<1x256x128xf32, #tpu.memory_space<hbm>> -> memref<256x128xf32, #tpu.memory_space<hbm>>
    %dma_wait3A_342 = arith.constant 0 : i32
    %dma_wait3A_343 = tpu.memref_slice %arg4[%add3A_308, %mul3A_4, %dma_wait3A_342] : memref<50x4096x128xf32, #tpu.memory_space<hbm>> -> memref<1x256x128xf32, #tpu.memory_space<hbm>>
    %dma_wait3A_344 = tpu.memref_squeeze %dma_wait3A_343 : memref<1x256x128xf32, #tpu.memory_space<hbm>> -> memref<256x128xf32, #tpu.memory_space<hbm>>
    tpu.wait_dma2 semaphore(%arg10 : memref<!tpu.dma_semaphore, #tpu.memory_space<semaphore_mem>>) src(%arg6 : memref<256x128xf32, #tpu.memory_space<vmem>>) dst(%dma_wait3A_344 : memref<256x128xf32, #tpu.memory_space<hbm>>)
    %dma_start3A_345 = arith.constant 4096 : i32
    %dma_start3A_346 = tpu.memref_slice %arg5[%dma_start3A_345] : memref<6400xi32, #tpu.memory_space<vmem>> -> memref<256xi32, #tpu.memory_space<vmem>>
    %dma_start3A_347 = arith.constant 0 : i32
    %dma_start3A_348 = arith.constant 0 : i32
    %dma_start3A_349 = tpu.memref_slice %arg2[%dma_start3A_347, %dma_start3A_348] : memref<100000x128xf32, #tpu.memory_space<hbm>> -> memref<100000x128xf32, #tpu.memory_space<hbm>>
    tpu.enqueue_indirect_dma source(%dma_start3A_349 : memref<100000x128xf32, #tpu.memory_space<hbm>>) target(%arg7 : memref<256x128xf32, #tpu.memory_space<vmem>>) offsets(%dma_start3A_346 : memref<256xi32, #tpu.memory_space<vmem>>) semaphore(%arg9 : memref<!tpu.dma_semaphore, #tpu.memory_space<semaphore_mem>>)
    %dma_wait3A_350 = arith.constant 3584 : i32
    %dma_wait3A_351 = tpu.memref_slice %arg5[%dma_wait3A_350] : memref<6400xi32, #tpu.memory_space<vmem>> -> memref<256xi32, #tpu.memory_space<vmem>>
    %dma_wait3A_352 = arith.constant 0 : i32
    %dma_wait3A_353 = arith.constant 0 : i32
    %dma_wait3A_354 = tpu.memref_slice %arg2[%dma_wait3A_352, %dma_wait3A_353] : memref<100000x128xf32, #tpu.memory_space<hbm>> -> memref<100000x128xf32, #tpu.memory_space<hbm>>
    tpu.wait_indirect_dma semaphore(%arg9 : memref<!tpu.dma_semaphore, #tpu.memory_space<semaphore_mem>>) src(%dma_wait3A_354 : memref<100000x128xf32, #tpu.memory_space<hbm>>) dst(%arg8 : memref<256x128xf32, #tpu.memory_space<vmem>>)
    %add3A_355 = arith.constant 14 : i32
    %add3A_356 = arith.addi %mul3A_2, %add3A_355 : i32
    %dma_start3A_357 = arith.constant 0 : i32
    %dma_start3A_358 = tpu.memref_slice %arg4[%add3A_356, %mul3A_4, %dma_start3A_357] : memref<50x4096x128xf32, #tpu.memory_space<hbm>> -> memref<1x256x128xf32, #tpu.memory_space<hbm>>
    %dma_start3A_359 = tpu.memref_squeeze %dma_start3A_358 : memref<1x256x128xf32, #tpu.memory_space<hbm>> -> memref<256x128xf32, #tpu.memory_space<hbm>>
    %dma_start3A_360 = arith.constant 0 : i32
    %dma_start3A_361 = tpu.memref_slice %arg4[%add3A_356, %mul3A_4, %dma_start3A_360] : memref<50x4096x128xf32, #tpu.memory_space<hbm>> -> memref<1x256x128xf32, #tpu.memory_space<hbm>>
    %dma_start3A_362 = tpu.memref_squeeze %dma_start3A_361 : memref<1x256x128xf32, #tpu.memory_space<hbm>> -> memref<256x128xf32, #tpu.memory_space<hbm>>
    tpu.enqueue_dma source(%arg8 : memref<256x128xf32, #tpu.memory_space<vmem>>) target(%dma_start3A_362 : memref<256x128xf32, #tpu.memory_space<hbm>>) target_semaphore(%arg10 : memref<!tpu.dma_semaphore, #tpu.memory_space<semaphore_mem>>)
    %dma_wait3A_363 = arith.constant 0 : i32
    %dma_wait3A_364 = tpu.memref_slice %arg4[%add3A_332, %mul3A_4, %dma_wait3A_363] : memref<50x4096x128xf32, #tpu.memory_space<hbm>> -> memref<1x256x128xf32, #tpu.memory_space<hbm>>
    %dma_wait3A_365 = tpu.memref_squeeze %dma_wait3A_364 : memref<1x256x128xf32, #tpu.memory_space<hbm>> -> memref<256x128xf32, #tpu.memory_space<hbm>>
    %dma_wait3A_366 = arith.constant 0 : i32
    %dma_wait3A_367 = tpu.memref_slice %arg4[%add3A_332, %mul3A_4, %dma_wait3A_366] : memref<50x4096x128xf32, #tpu.memory_space<hbm>> -> memref<1x256x128xf32, #tpu.memory_space<hbm>>
    %dma_wait3A_368 = tpu.memref_squeeze %dma_wait3A_367 : memref<1x256x128xf32, #tpu.memory_space<hbm>> -> memref<256x128xf32, #tpu.memory_space<hbm>>
    tpu.wait_dma2 semaphore(%arg10 : memref<!tpu.dma_semaphore, #tpu.memory_space<semaphore_mem>>) src(%arg7 : memref<256x128xf32, #tpu.memory_space<vmem>>) dst(%dma_wait3A_368 : memref<256x128xf32, #tpu.memory_space<hbm>>)
    %dma_start3A_369 = arith.constant 4352 : i32
    %dma_start3A_370 = tpu.memref_slice %arg5[%dma_start3A_369] : memref<6400xi32, #tpu.memory_space<vmem>> -> memref<256xi32, #tpu.memory_space<vmem>>
    %dma_start3A_371 = arith.constant 0 : i32
    %dma_start3A_372 = arith.constant 0 : i32
    %dma_start3A_373 = tpu.memref_slice %arg2[%dma_start3A_371, %dma_start3A_372] : memref<100000x128xf32, #tpu.memory_space<hbm>> -> memref<100000x128xf32, #tpu.memory_space<hbm>>
    tpu.enqueue_indirect_dma source(%dma_start3A_373 : memref<100000x128xf32, #tpu.memory_space<hbm>>) target(%arg8 : memref<256x128xf32, #tpu.memory_space<vmem>>) offsets(%dma_start3A_370 : memref<256xi32, #tpu.memory_space<vmem>>) semaphore(%arg9 : memref<!tpu.dma_semaphore, #tpu.memory_space<semaphore_mem>>)
    %dma_wait3A_374 = arith.constant 3840 : i32
    %dma_wait3A_375 = tpu.memref_slice %arg5[%dma_wait3A_374] : memref<6400xi32, #tpu.memory_space<vmem>> -> memref<256xi32, #tpu.memory_space<vmem>>
    %dma_wait3A_376 = arith.constant 0 : i32
    %dma_wait3A_377 = arith.constant 0 : i32
    %dma_wait3A_378 = tpu.memref_slice %arg2[%dma_wait3A_376, %dma_wait3A_377] : memref<100000x128xf32, #tpu.memory_space<hbm>> -> memref<100000x128xf32, #tpu.memory_space<hbm>>
    tpu.wait_indirect_dma semaphore(%arg9 : memref<!tpu.dma_semaphore, #tpu.memory_space<semaphore_mem>>) src(%dma_wait3A_378 : memref<100000x128xf32, #tpu.memory_space<hbm>>) dst(%arg6 : memref<256x128xf32, #tpu.memory_space<vmem>>)
    %add3A_379 = arith.constant 15 : i32
    %add3A_380 = arith.addi %mul3A_2, %add3A_379 : i32
    %dma_start3A_381 = arith.constant 0 : i32
    %dma_start3A_382 = tpu.memref_slice %arg4[%add3A_380, %mul3A_4, %dma_start3A_381] : memref<50x4096x128xf32, #tpu.memory_space<hbm>> -> memref<1x256x128xf32, #tpu.memory_space<hbm>>
    %dma_start3A_383 = tpu.memref_squeeze %dma_start3A_382 : memref<1x256x128xf32, #tpu.memory_space<hbm>> -> memref<256x128xf32, #tpu.memory_space<hbm>>
    %dma_start3A_384 = arith.constant 0 : i32
    %dma_start3A_385 = tpu.memref_slice %arg4[%add3A_380, %mul3A_4, %dma_start3A_384] : memref<50x4096x128xf32, #tpu.memory_space<hbm>> -> memref<1x256x128xf32, #tpu.memory_space<hbm>>
    %dma_start3A_386 = tpu.memref_squeeze %dma_start3A_385 : memref<1x256x128xf32, #tpu.memory_space<hbm>> -> memref<256x128xf32, #tpu.memory_space<hbm>>
    tpu.enqueue_dma source(%arg6 : memref<256x128xf32, #tpu.memory_space<vmem>>) target(%dma_start3A_386 : memref<256x128xf32, #tpu.memory_space<hbm>>) target_semaphore(%arg10 : memref<!tpu.dma_semaphore, #tpu.memory_space<semaphore_mem>>)
    %dma_wait3A_387 = arith.constant 0 : i32
    %dma_wait3A_388 = tpu.memref_slice %arg4[%add3A_356, %mul3A_4, %dma_wait3A_387] : memref<50x4096x128xf32, #tpu.memory_space<hbm>> -> memref<1x256x128xf32, #tpu.memory_space<hbm>>
    %dma_wait3A_389 = tpu.memref_squeeze %dma_wait3A_388 : memref<1x256x128xf32, #tpu.memory_space<hbm>> -> memref<256x128xf32, #tpu.memory_space<hbm>>
    %dma_wait3A_390 = arith.constant 0 : i32
    %dma_wait3A_391 = tpu.memref_slice %arg4[%add3A_356, %mul3A_4, %dma_wait3A_390] : memref<50x4096x128xf32, #tpu.memory_space<hbm>> -> memref<1x256x128xf32, #tpu.memory_space<hbm>>
    %dma_wait3A_392 = tpu.memref_squeeze %dma_wait3A_391 : memref<1x256x128xf32, #tpu.memory_space<hbm>> -> memref<256x128xf32, #tpu.memory_space<hbm>>
    tpu.wait_dma2 semaphore(%arg10 : memref<!tpu.dma_semaphore, #tpu.memory_space<semaphore_mem>>) src(%arg8 : memref<256x128xf32, #tpu.memory_space<vmem>>) dst(%dma_wait3A_392 : memref<256x128xf32, #tpu.memory_space<hbm>>)
    %dma_start3A_393 = arith.constant 4608 : i32
    %dma_start3A_394 = tpu.memref_slice %arg5[%dma_start3A_393] : memref<6400xi32, #tpu.memory_space<vmem>> -> memref<256xi32, #tpu.memory_space<vmem>>
    %dma_start3A_395 = arith.constant 0 : i32
    %dma_start3A_396 = arith.constant 0 : i32
    %dma_start3A_397 = tpu.memref_slice %arg2[%dma_start3A_395, %dma_start3A_396] : memref<100000x128xf32, #tpu.memory_space<hbm>> -> memref<100000x128xf32, #tpu.memory_space<hbm>>
    tpu.enqueue_indirect_dma source(%dma_start3A_397 : memref<100000x128xf32, #tpu.memory_space<hbm>>) target(%arg6 : memref<256x128xf32, #tpu.memory_space<vmem>>) offsets(%dma_start3A_394 : memref<256xi32, #tpu.memory_space<vmem>>) semaphore(%arg9 : memref<!tpu.dma_semaphore, #tpu.memory_space<semaphore_mem>>)
    %dma_wait3A_398 = arith.constant 4096 : i32
    %dma_wait3A_399 = tpu.memref_slice %arg5[%dma_wait3A_398] : memref<6400xi32, #tpu.memory_space<vmem>> -> memref<256xi32, #tpu.memory_space<vmem>>
    %dma_wait3A_400 = arith.constant 0 : i32
    %dma_wait3A_401 = arith.constant 0 : i32
    %dma_wait3A_402 = tpu.memref_slice %arg2[%dma_wait3A_400, %dma_wait3A_401] : memref<100000x128xf32, #tpu.memory_space<hbm>> -> memref<100000x128xf32, #tpu.memory_space<hbm>>
    tpu.wait_indirect_dma semaphore(%arg9 : memref<!tpu.dma_semaphore, #tpu.memory_space<semaphore_mem>>) src(%dma_wait3A_402 : memref<100000x128xf32, #tpu.memory_space<hbm>>) dst(%arg7 : memref<256x128xf32, #tpu.memory_space<vmem>>)
    %add3A_403 = arith.constant 16 : i32
    %add3A_404 = arith.addi %mul3A_2, %add3A_403 : i32
    %dma_start3A_405 = arith.constant 0 : i32
    %dma_start3A_406 = tpu.memref_slice %arg4[%add3A_404, %mul3A_4, %dma_start3A_405] : memref<50x4096x128xf32, #tpu.memory_space<hbm>> -> memref<1x256x128xf32, #tpu.memory_space<hbm>>
    %dma_start3A_407 = tpu.memref_squeeze %dma_start3A_406 : memref<1x256x128xf32, #tpu.memory_space<hbm>> -> memref<256x128xf32, #tpu.memory_space<hbm>>
    %dma_start3A_408 = arith.constant 0 : i32
    %dma_start3A_409 = tpu.memref_slice %arg4[%add3A_404, %mul3A_4, %dma_start3A_408] : memref<50x4096x128xf32, #tpu.memory_space<hbm>> -> memref<1x256x128xf32, #tpu.memory_space<hbm>>
    %dma_start3A_410 = tpu.memref_squeeze %dma_start3A_409 : memref<1x256x128xf32, #tpu.memory_space<hbm>> -> memref<256x128xf32, #tpu.memory_space<hbm>>
    tpu.enqueue_dma source(%arg7 : memref<256x128xf32, #tpu.memory_space<vmem>>) target(%dma_start3A_410 : memref<256x128xf32, #tpu.memory_space<hbm>>) target_semaphore(%arg10 : memref<!tpu.dma_semaphore, #tpu.memory_space<semaphore_mem>>)
    %dma_wait3A_411 = arith.constant 0 : i32
    %dma_wait3A_412 = tpu.memref_slice %arg4[%add3A_380, %mul3A_4, %dma_wait3A_411] : memref<50x4096x128xf32, #tpu.memory_space<hbm>> -> memref<1x256x128xf32, #tpu.memory_space<hbm>>
    %dma_wait3A_413 = tpu.memref_squeeze %dma_wait3A_412 : memref<1x256x128xf32, #tpu.memory_space<hbm>> -> memref<256x128xf32, #tpu.memory_space<hbm>>
    %dma_wait3A_414 = arith.constant 0 : i32
    %dma_wait3A_415 = tpu.memref_slice %arg4[%add3A_380, %mul3A_4, %dma_wait3A_414] : memref<50x4096x128xf32, #tpu.memory_space<hbm>> -> memref<1x256x128xf32, #tpu.memory_space<hbm>>
    %dma_wait3A_416 = tpu.memref_squeeze %dma_wait3A_415 : memref<1x256x128xf32, #tpu.memory_space<hbm>> -> memref<256x128xf32, #tpu.memory_space<hbm>>
    tpu.wait_dma2 semaphore(%arg10 : memref<!tpu.dma_semaphore, #tpu.memory_space<semaphore_mem>>) src(%arg6 : memref<256x128xf32, #tpu.memory_space<vmem>>) dst(%dma_wait3A_416 : memref<256x128xf32, #tpu.memory_space<hbm>>)
    %dma_start3A_417 = arith.constant 4864 : i32
    %dma_start3A_418 = tpu.memref_slice %arg5[%dma_start3A_417] : memref<6400xi32, #tpu.memory_space<vmem>> -> memref<256xi32, #tpu.memory_space<vmem>>
    %dma_start3A_419 = arith.constant 0 : i32
    %dma_start3A_420 = arith.constant 0 : i32
    %dma_start3A_421 = tpu.memref_slice %arg2[%dma_start3A_419, %dma_start3A_420] : memref<100000x128xf32, #tpu.memory_space<hbm>> -> memref<100000x128xf32, #tpu.memory_space<hbm>>
    tpu.enqueue_indirect_dma source(%dma_start3A_421 : memref<100000x128xf32, #tpu.memory_space<hbm>>) target(%arg7 : memref<256x128xf32, #tpu.memory_space<vmem>>) offsets(%dma_start3A_418 : memref<256xi32, #tpu.memory_space<vmem>>) semaphore(%arg9 : memref<!tpu.dma_semaphore, #tpu.memory_space<semaphore_mem>>)
    %dma_wait3A_422 = arith.constant 4352 : i32
    %dma_wait3A_423 = tpu.memref_slice %arg5[%dma_wait3A_422] : memref<6400xi32, #tpu.memory_space<vmem>> -> memref<256xi32, #tpu.memory_space<vmem>>
    %dma_wait3A_424 = arith.constant 0 : i32
    %dma_wait3A_425 = arith.constant 0 : i32
    %dma_wait3A_426 = tpu.memref_slice %arg2[%dma_wait3A_424, %dma_wait3A_425] : memref<100000x128xf32, #tpu.memory_space<hbm>> -> memref<100000x128xf32, #tpu.memory_space<hbm>>
    tpu.wait_indirect_dma semaphore(%arg9 : memref<!tpu.dma_semaphore, #tpu.memory_space<semaphore_mem>>) src(%dma_wait3A_426 : memref<100000x128xf32, #tpu.memory_space<hbm>>) dst(%arg8 : memref<256x128xf32, #tpu.memory_space<vmem>>)
    %add3A_427 = arith.constant 17 : i32
    %add3A_428 = arith.addi %mul3A_2, %add3A_427 : i32
    %dma_start3A_429 = arith.constant 0 : i32
    %dma_start3A_430 = tpu.memref_slice %arg4[%add3A_428, %mul3A_4, %dma_start3A_429] : memref<50x4096x128xf32, #tpu.memory_space<hbm>> -> memref<1x256x128xf32, #tpu.memory_space<hbm>>
    %dma_start3A_431 = tpu.memref_squeeze %dma_start3A_430 : memref<1x256x128xf32, #tpu.memory_space<hbm>> -> memref<256x128xf32, #tpu.memory_space<hbm>>
    %dma_start3A_432 = arith.constant 0 : i32
    %dma_start3A_433 = tpu.memref_slice %arg4[%add3A_428, %mul3A_4, %dma_start3A_432] : memref<50x4096x128xf32, #tpu.memory_space<hbm>> -> memref<1x256x128xf32, #tpu.memory_space<hbm>>
    %dma_start3A_434 = tpu.memref_squeeze %dma_start3A_433 : memref<1x256x128xf32, #tpu.memory_space<hbm>> -> memref<256x128xf32, #tpu.memory_space<hbm>>
    tpu.enqueue_dma source(%arg8 : memref<256x128xf32, #tpu.memory_space<vmem>>) target(%dma_start3A_434 : memref<256x128xf32, #tpu.memory_space<hbm>>) target_semaphore(%arg10 : memref<!tpu.dma_semaphore, #tpu.memory_space<semaphore_mem>>)
    %dma_wait3A_435 = arith.constant 0 : i32
    %dma_wait3A_436 = tpu.memref_slice %arg4[%add3A_404, %mul3A_4, %dma_wait3A_435] : memref<50x4096x128xf32, #tpu.memory_space<hbm>> -> memref<1x256x128xf32, #tpu.memory_space<hbm>>
    %dma_wait3A_437 = tpu.memref_squeeze %dma_wait3A_436 : memref<1x256x128xf32, #tpu.memory_space<hbm>> -> memref<256x128xf32, #tpu.memory_space<hbm>>
    %dma_wait3A_438 = arith.constant 0 : i32
    %dma_wait3A_439 = tpu.memref_slice %arg4[%add3A_404, %mul3A_4, %dma_wait3A_438] : memref<50x4096x128xf32, #tpu.memory_space<hbm>> -> memref<1x256x128xf32, #tpu.memory_space<hbm>>
    %dma_wait3A_440 = tpu.memref_squeeze %dma_wait3A_439 : memref<1x256x128xf32, #tpu.memory_space<hbm>> -> memref<256x128xf32, #tpu.memory_space<hbm>>
    tpu.wait_dma2 semaphore(%arg10 : memref<!tpu.dma_semaphore, #tpu.memory_space<semaphore_mem>>) src(%arg7 : memref<256x128xf32, #tpu.memory_space<vmem>>) dst(%dma_wait3A_440 : memref<256x128xf32, #tpu.memory_space<hbm>>)
    %dma_start3A_441 = arith.constant 5120 : i32
    %dma_start3A_442 = tpu.memref_slice %arg5[%dma_start3A_441] : memref<6400xi32, #tpu.memory_space<vmem>> -> memref<256xi32, #tpu.memory_space<vmem>>
    %dma_start3A_443 = arith.constant 0 : i32
    %dma_start3A_444 = arith.constant 0 : i32
    %dma_start3A_445 = tpu.memref_slice %arg2[%dma_start3A_443, %dma_start3A_444] : memref<100000x128xf32, #tpu.memory_space<hbm>> -> memref<100000x128xf32, #tpu.memory_space<hbm>>
    tpu.enqueue_indirect_dma source(%dma_start3A_445 : memref<100000x128xf32, #tpu.memory_space<hbm>>) target(%arg8 : memref<256x128xf32, #tpu.memory_space<vmem>>) offsets(%dma_start3A_442 : memref<256xi32, #tpu.memory_space<vmem>>) semaphore(%arg9 : memref<!tpu.dma_semaphore, #tpu.memory_space<semaphore_mem>>)
    %dma_wait3A_446 = arith.constant 4608 : i32
    %dma_wait3A_447 = tpu.memref_slice %arg5[%dma_wait3A_446] : memref<6400xi32, #tpu.memory_space<vmem>> -> memref<256xi32, #tpu.memory_space<vmem>>
    %dma_wait3A_448 = arith.constant 0 : i32
    %dma_wait3A_449 = arith.constant 0 : i32
    %dma_wait3A_450 = tpu.memref_slice %arg2[%dma_wait3A_448, %dma_wait3A_449] : memref<100000x128xf32, #tpu.memory_space<hbm>> -> memref<100000x128xf32, #tpu.memory_space<hbm>>
    tpu.wait_indirect_dma semaphore(%arg9 : memref<!tpu.dma_semaphore, #tpu.memory_space<semaphore_mem>>) src(%dma_wait3A_450 : memref<100000x128xf32, #tpu.memory_space<hbm>>) dst(%arg6 : memref<256x128xf32, #tpu.memory_space<vmem>>)
    %add3A_451 = arith.constant 18 : i32
    %add3A_452 = arith.addi %mul3A_2, %add3A_451 : i32
    %dma_start3A_453 = arith.constant 0 : i32
    %dma_start3A_454 = tpu.memref_slice %arg4[%add3A_452, %mul3A_4, %dma_start3A_453] : memref<50x4096x128xf32, #tpu.memory_space<hbm>> -> memref<1x256x128xf32, #tpu.memory_space<hbm>>
    %dma_start3A_455 = tpu.memref_squeeze %dma_start3A_454 : memref<1x256x128xf32, #tpu.memory_space<hbm>> -> memref<256x128xf32, #tpu.memory_space<hbm>>
    %dma_start3A_456 = arith.constant 0 : i32
    %dma_start3A_457 = tpu.memref_slice %arg4[%add3A_452, %mul3A_4, %dma_start3A_456] : memref<50x4096x128xf32, #tpu.memory_space<hbm>> -> memref<1x256x128xf32, #tpu.memory_space<hbm>>
    %dma_start3A_458 = tpu.memref_squeeze %dma_start3A_457 : memref<1x256x128xf32, #tpu.memory_space<hbm>> -> memref<256x128xf32, #tpu.memory_space<hbm>>
    tpu.enqueue_dma source(%arg6 : memref<256x128xf32, #tpu.memory_space<vmem>>) target(%dma_start3A_458 : memref<256x128xf32, #tpu.memory_space<hbm>>) target_semaphore(%arg10 : memref<!tpu.dma_semaphore, #tpu.memory_space<semaphore_mem>>)
    %dma_wait3A_459 = arith.constant 0 : i32
    %dma_wait3A_460 = tpu.memref_slice %arg4[%add3A_428, %mul3A_4, %dma_wait3A_459] : memref<50x4096x128xf32, #tpu.memory_space<hbm>> -> memref<1x256x128xf32, #tpu.memory_space<hbm>>
    %dma_wait3A_461 = tpu.memref_squeeze %dma_wait3A_460 : memref<1x256x128xf32, #tpu.memory_space<hbm>> -> memref<256x128xf32, #tpu.memory_space<hbm>>
    %dma_wait3A_462 = arith.constant 0 : i32
    %dma_wait3A_463 = tpu.memref_slice %arg4[%add3A_428, %mul3A_4, %dma_wait3A_462] : memref<50x4096x128xf32, #tpu.memory_space<hbm>> -> memref<1x256x128xf32, #tpu.memory_space<hbm>>
    %dma_wait3A_464 = tpu.memref_squeeze %dma_wait3A_463 : memref<1x256x128xf32, #tpu.memory_space<hbm>> -> memref<256x128xf32, #tpu.memory_space<hbm>>
    tpu.wait_dma2 semaphore(%arg10 : memref<!tpu.dma_semaphore, #tpu.memory_space<semaphore_mem>>) src(%arg8 : memref<256x128xf32, #tpu.memory_space<vmem>>) dst(%dma_wait3A_464 : memref<256x128xf32, #tpu.memory_space<hbm>>)
    %dma_start3A_465 = arith.constant 5376 : i32
    %dma_start3A_466 = tpu.memref_slice %arg5[%dma_start3A_465] : memref<6400xi32, #tpu.memory_space<vmem>> -> memref<256xi32, #tpu.memory_space<vmem>>
    %dma_start3A_467 = arith.constant 0 : i32
    %dma_start3A_468 = arith.constant 0 : i32
    %dma_start3A_469 = tpu.memref_slice %arg2[%dma_start3A_467, %dma_start3A_468] : memref<100000x128xf32, #tpu.memory_space<hbm>> -> memref<100000x128xf32, #tpu.memory_space<hbm>>
    tpu.enqueue_indirect_dma source(%dma_start3A_469 : memref<100000x128xf32, #tpu.memory_space<hbm>>) target(%arg6 : memref<256x128xf32, #tpu.memory_space<vmem>>) offsets(%dma_start3A_466 : memref<256xi32, #tpu.memory_space<vmem>>) semaphore(%arg9 : memref<!tpu.dma_semaphore, #tpu.memory_space<semaphore_mem>>)
    %dma_wait3A_470 = arith.constant 4864 : i32
    %dma_wait3A_471 = tpu.memref_slice %arg5[%dma_wait3A_470] : memref<6400xi32, #tpu.memory_space<vmem>> -> memref<256xi32, #tpu.memory_space<vmem>>
    %dma_wait3A_472 = arith.constant 0 : i32
    %dma_wait3A_473 = arith.constant 0 : i32
    %dma_wait3A_474 = tpu.memref_slice %arg2[%dma_wait3A_472, %dma_wait3A_473] : memref<100000x128xf32, #tpu.memory_space<hbm>> -> memref<100000x128xf32, #tpu.memory_space<hbm>>
    tpu.wait_indirect_dma semaphore(%arg9 : memref<!tpu.dma_semaphore, #tpu.memory_space<semaphore_mem>>) src(%dma_wait3A_474 : memref<100000x128xf32, #tpu.memory_space<hbm>>) dst(%arg7 : memref<256x128xf32, #tpu.memory_space<vmem>>)
    %add3A_475 = arith.constant 19 : i32
    %add3A_476 = arith.addi %mul3A_2, %add3A_475 : i32
    %dma_start3A_477 = arith.constant 0 : i32
    %dma_start3A_478 = tpu.memref_slice %arg4[%add3A_476, %mul3A_4, %dma_start3A_477] : memref<50x4096x128xf32, #tpu.memory_space<hbm>> -> memref<1x256x128xf32, #tpu.memory_space<hbm>>
    %dma_start3A_479 = tpu.memref_squeeze %dma_start3A_478 : memref<1x256x128xf32, #tpu.memory_space<hbm>> -> memref<256x128xf32, #tpu.memory_space<hbm>>
    %dma_start3A_480 = arith.constant 0 : i32
    %dma_start3A_481 = tpu.memref_slice %arg4[%add3A_476, %mul3A_4, %dma_start3A_480] : memref<50x4096x128xf32, #tpu.memory_space<hbm>> -> memref<1x256x128xf32, #tpu.memory_space<hbm>>
    %dma_start3A_482 = tpu.memref_squeeze %dma_start3A_481 : memref<1x256x128xf32, #tpu.memory_space<hbm>> -> memref<256x128xf32, #tpu.memory_space<hbm>>
    tpu.enqueue_dma source(%arg7 : memref<256x128xf32, #tpu.memory_space<vmem>>) target(%dma_start3A_482 : memref<256x128xf32, #tpu.memory_space<hbm>>) target_semaphore(%arg10 : memref<!tpu.dma_semaphore, #tpu.memory_space<semaphore_mem>>)
    %dma_wait3A_483 = arith.constant 0 : i32
    %dma_wait3A_484 = tpu.memref_slice %arg4[%add3A_452, %mul3A_4, %dma_wait3A_483] : memref<50x4096x128xf32, #tpu.memory_space<hbm>> -> memref<1x256x128xf32, #tpu.memory_space<hbm>>
    %dma_wait3A_485 = tpu.memref_squeeze %dma_wait3A_484 : memref<1x256x128xf32, #tpu.memory_space<hbm>> -> memref<256x128xf32, #tpu.memory_space<hbm>>
    %dma_wait3A_486 = arith.constant 0 : i32
    %dma_wait3A_487 = tpu.memref_slice %arg4[%add3A_452, %mul3A_4, %dma_wait3A_486] : memref<50x4096x128xf32, #tpu.memory_space<hbm>> -> memref<1x256x128xf32, #tpu.memory_space<hbm>>
    %dma_wait3A_488 = tpu.memref_squeeze %dma_wait3A_487 : memref<1x256x128xf32, #tpu.memory_space<hbm>> -> memref<256x128xf32, #tpu.memory_space<hbm>>
    tpu.wait_dma2 semaphore(%arg10 : memref<!tpu.dma_semaphore, #tpu.memory_space<semaphore_mem>>) src(%arg6 : memref<256x128xf32, #tpu.memory_space<vmem>>) dst(%dma_wait3A_488 : memref<256x128xf32, #tpu.memory_space<hbm>>)
    %dma_start3A_489 = arith.constant 5632 : i32
    %dma_start3A_490 = tpu.memref_slice %arg5[%dma_start3A_489] : memref<6400xi32, #tpu.memory_space<vmem>> -> memref<256xi32, #tpu.memory_space<vmem>>
    %dma_start3A_491 = arith.constant 0 : i32
    %dma_start3A_492 = arith.constant 0 : i32
    %dma_start3A_493 = tpu.memref_slice %arg2[%dma_start3A_491, %dma_start3A_492] : memref<100000x128xf32, #tpu.memory_space<hbm>> -> memref<100000x128xf32, #tpu.memory_space<hbm>>
    tpu.enqueue_indirect_dma source(%dma_start3A_493 : memref<100000x128xf32, #tpu.memory_space<hbm>>) target(%arg7 : memref<256x128xf32, #tpu.memory_space<vmem>>) offsets(%dma_start3A_490 : memref<256xi32, #tpu.memory_space<vmem>>) semaphore(%arg9 : memref<!tpu.dma_semaphore, #tpu.memory_space<semaphore_mem>>)
    %dma_wait3A_494 = arith.constant 5120 : i32
    %dma_wait3A_495 = tpu.memref_slice %arg5[%dma_wait3A_494] : memref<6400xi32, #tpu.memory_space<vmem>> -> memref<256xi32, #tpu.memory_space<vmem>>
    %dma_wait3A_496 = arith.constant 0 : i32
    %dma_wait3A_497 = arith.constant 0 : i32
    %dma_wait3A_498 = tpu.memref_slice %arg2[%dma_wait3A_496, %dma_wait3A_497] : memref<100000x128xf32, #tpu.memory_space<hbm>> -> memref<100000x128xf32, #tpu.memory_space<hbm>>
    tpu.wait_indirect_dma semaphore(%arg9 : memref<!tpu.dma_semaphore, #tpu.memory_space<semaphore_mem>>) src(%dma_wait3A_498 : memref<100000x128xf32, #tpu.memory_space<hbm>>) dst(%arg8 : memref<256x128xf32, #tpu.memory_space<vmem>>)
    %add3A_499 = arith.constant 20 : i32
    %add3A_500 = arith.addi %mul3A_2, %add3A_499 : i32
    %dma_start3A_501 = arith.constant 0 : i32
    %dma_start3A_502 = tpu.memref_slice %arg4[%add3A_500, %mul3A_4, %dma_start3A_501] : memref<50x4096x128xf32, #tpu.memory_space<hbm>> -> memref<1x256x128xf32, #tpu.memory_space<hbm>>
    %dma_start3A_503 = tpu.memref_squeeze %dma_start3A_502 : memref<1x256x128xf32, #tpu.memory_space<hbm>> -> memref<256x128xf32, #tpu.memory_space<hbm>>
    %dma_start3A_504 = arith.constant 0 : i32
    %dma_start3A_505 = tpu.memref_slice %arg4[%add3A_500, %mul3A_4, %dma_start3A_504] : memref<50x4096x128xf32, #tpu.memory_space<hbm>> -> memref<1x256x128xf32, #tpu.memory_space<hbm>>
    %dma_start3A_506 = tpu.memref_squeeze %dma_start3A_505 : memref<1x256x128xf32, #tpu.memory_space<hbm>> -> memref<256x128xf32, #tpu.memory_space<hbm>>
    tpu.enqueue_dma source(%arg8 : memref<256x128xf32, #tpu.memory_space<vmem>>) target(%dma_start3A_506 : memref<256x128xf32, #tpu.memory_space<hbm>>) target_semaphore(%arg10 : memref<!tpu.dma_semaphore, #tpu.memory_space<semaphore_mem>>)
    %dma_wait3A_507 = arith.constant 0 : i32
    %dma_wait3A_508 = tpu.memref_slice %arg4[%add3A_476, %mul3A_4, %dma_wait3A_507] : memref<50x4096x128xf32, #tpu.memory_space<hbm>> -> memref<1x256x128xf32, #tpu.memory_space<hbm>>
    %dma_wait3A_509 = tpu.memref_squeeze %dma_wait3A_508 : memref<1x256x128xf32, #tpu.memory_space<hbm>> -> memref<256x128xf32, #tpu.memory_space<hbm>>
    %dma_wait3A_510 = arith.constant 0 : i32
    %dma_wait3A_511 = tpu.memref_slice %arg4[%add3A_476, %mul3A_4, %dma_wait3A_510] : memref<50x4096x128xf32, #tpu.memory_space<hbm>> -> memref<1x256x128xf32, #tpu.memory_space<hbm>>
    %dma_wait3A_512 = tpu.memref_squeeze %dma_wait3A_511 : memref<1x256x128xf32, #tpu.memory_space<hbm>> -> memref<256x128xf32, #tpu.memory_space<hbm>>
    tpu.wait_dma2 semaphore(%arg10 : memref<!tpu.dma_semaphore, #tpu.memory_space<semaphore_mem>>) src(%arg7 : memref<256x128xf32, #tpu.memory_space<vmem>>) dst(%dma_wait3A_512 : memref<256x128xf32, #tpu.memory_space<hbm>>)
    %dma_start3A_513 = arith.constant 5888 : i32
    %dma_start3A_514 = tpu.memref_slice %arg5[%dma_start3A_513] : memref<6400xi32, #tpu.memory_space<vmem>> -> memref<256xi32, #tpu.memory_space<vmem>>
    %dma_start3A_515 = arith.constant 0 : i32
    %dma_start3A_516 = arith.constant 0 : i32
    %dma_start3A_517 = tpu.memref_slice %arg2[%dma_start3A_515, %dma_start3A_516] : memref<100000x128xf32, #tpu.memory_space<hbm>> -> memref<100000x128xf32, #tpu.memory_space<hbm>>
    tpu.enqueue_indirect_dma source(%dma_start3A_517 : memref<100000x128xf32, #tpu.memory_space<hbm>>) target(%arg8 : memref<256x128xf32, #tpu.memory_space<vmem>>) offsets(%dma_start3A_514 : memref<256xi32, #tpu.memory_space<vmem>>) semaphore(%arg9 : memref<!tpu.dma_semaphore, #tpu.memory_space<semaphore_mem>>)
    %dma_wait3A_518 = arith.constant 5376 : i32
    %dma_wait3A_519 = tpu.memref_slice %arg5[%dma_wait3A_518] : memref<6400xi32, #tpu.memory_space<vmem>> -> memref<256xi32, #tpu.memory_space<vmem>>
    %dma_wait3A_520 = arith.constant 0 : i32
    %dma_wait3A_521 = arith.constant 0 : i32
    %dma_wait3A_522 = tpu.memref_slice %arg2[%dma_wait3A_520, %dma_wait3A_521] : memref<100000x128xf32, #tpu.memory_space<hbm>> -> memref<100000x128xf32, #tpu.memory_space<hbm>>
    tpu.wait_indirect_dma semaphore(%arg9 : memref<!tpu.dma_semaphore, #tpu.memory_space<semaphore_mem>>) src(%dma_wait3A_522 : memref<100000x128xf32, #tpu.memory_space<hbm>>) dst(%arg6 : memref<256x128xf32, #tpu.memory_space<vmem>>)
    %add3A_523 = arith.constant 21 : i32
    %add3A_524 = arith.addi %mul3A_2, %add3A_523 : i32
    %dma_start3A_525 = arith.constant 0 : i32
    %dma_start3A_526 = tpu.memref_slice %arg4[%add3A_524, %mul3A_4, %dma_start3A_525] : memref<50x4096x128xf32, #tpu.memory_space<hbm>> -> memref<1x256x128xf32, #tpu.memory_space<hbm>>
    %dma_start3A_527 = tpu.memref_squeeze %dma_start3A_526 : memref<1x256x128xf32, #tpu.memory_space<hbm>> -> memref<256x128xf32, #tpu.memory_space<hbm>>
    %dma_start3A_528 = arith.constant 0 : i32
    %dma_start3A_529 = tpu.memref_slice %arg4[%add3A_524, %mul3A_4, %dma_start3A_528] : memref<50x4096x128xf32, #tpu.memory_space<hbm>> -> memref<1x256x128xf32, #tpu.memory_space<hbm>>
    %dma_start3A_530 = tpu.memref_squeeze %dma_start3A_529 : memref<1x256x128xf32, #tpu.memory_space<hbm>> -> memref<256x128xf32, #tpu.memory_space<hbm>>
    tpu.enqueue_dma source(%arg6 : memref<256x128xf32, #tpu.memory_space<vmem>>) target(%dma_start3A_530 : memref<256x128xf32, #tpu.memory_space<hbm>>) target_semaphore(%arg10 : memref<!tpu.dma_semaphore, #tpu.memory_space<semaphore_mem>>)
    %dma_wait3A_531 = arith.constant 0 : i32
    %dma_wait3A_532 = tpu.memref_slice %arg4[%add3A_500, %mul3A_4, %dma_wait3A_531] : memref<50x4096x128xf32, #tpu.memory_space<hbm>> -> memref<1x256x128xf32, #tpu.memory_space<hbm>>
    %dma_wait3A_533 = tpu.memref_squeeze %dma_wait3A_532 : memref<1x256x128xf32, #tpu.memory_space<hbm>> -> memref<256x128xf32, #tpu.memory_space<hbm>>
    %dma_wait3A_534 = arith.constant 0 : i32
    %dma_wait3A_535 = tpu.memref_slice %arg4[%add3A_500, %mul3A_4, %dma_wait3A_534] : memref<50x4096x128xf32, #tpu.memory_space<hbm>> -> memref<1x256x128xf32, #tpu.memory_space<hbm>>
    %dma_wait3A_536 = tpu.memref_squeeze %dma_wait3A_535 : memref<1x256x128xf32, #tpu.memory_space<hbm>> -> memref<256x128xf32, #tpu.memory_space<hbm>>
    tpu.wait_dma2 semaphore(%arg10 : memref<!tpu.dma_semaphore, #tpu.memory_space<semaphore_mem>>) src(%arg8 : memref<256x128xf32, #tpu.memory_space<vmem>>) dst(%dma_wait3A_536 : memref<256x128xf32, #tpu.memory_space<hbm>>)
    %dma_start3A_537 = arith.constant 6144 : i32
    %dma_start3A_538 = tpu.memref_slice %arg5[%dma_start3A_537] : memref<6400xi32, #tpu.memory_space<vmem>> -> memref<256xi32, #tpu.memory_space<vmem>>
    %dma_start3A_539 = arith.constant 0 : i32
    %dma_start3A_540 = arith.constant 0 : i32
    %dma_start3A_541 = tpu.memref_slice %arg2[%dma_start3A_539, %dma_start3A_540] : memref<100000x128xf32, #tpu.memory_space<hbm>> -> memref<100000x128xf32, #tpu.memory_space<hbm>>
    tpu.enqueue_indirect_dma source(%dma_start3A_541 : memref<100000x128xf32, #tpu.memory_space<hbm>>) target(%arg6 : memref<256x128xf32, #tpu.memory_space<vmem>>) offsets(%dma_start3A_538 : memref<256xi32, #tpu.memory_space<vmem>>) semaphore(%arg9 : memref<!tpu.dma_semaphore, #tpu.memory_space<semaphore_mem>>)
    %dma_wait3A_542 = arith.constant 5632 : i32
    %dma_wait3A_543 = tpu.memref_slice %arg5[%dma_wait3A_542] : memref<6400xi32, #tpu.memory_space<vmem>> -> memref<256xi32, #tpu.memory_space<vmem>>
    %dma_wait3A_544 = arith.constant 0 : i32
    %dma_wait3A_545 = arith.constant 0 : i32
    %dma_wait3A_546 = tpu.memref_slice %arg2[%dma_wait3A_544, %dma_wait3A_545] : memref<100000x128xf32, #tpu.memory_space<hbm>> -> memref<100000x128xf32, #tpu.memory_space<hbm>>
    tpu.wait_indirect_dma semaphore(%arg9 : memref<!tpu.dma_semaphore, #tpu.memory_space<semaphore_mem>>) src(%dma_wait3A_546 : memref<100000x128xf32, #tpu.memory_space<hbm>>) dst(%arg7 : memref<256x128xf32, #tpu.memory_space<vmem>>)
    %add3A_547 = arith.constant 22 : i32
    %add3A_548 = arith.addi %mul3A_2, %add3A_547 : i32
    %dma_start3A_549 = arith.constant 0 : i32
    %dma_start3A_550 = tpu.memref_slice %arg4[%add3A_548, %mul3A_4, %dma_start3A_549] : memref<50x4096x128xf32, #tpu.memory_space<hbm>> -> memref<1x256x128xf32, #tpu.memory_space<hbm>>
    %dma_start3A_551 = tpu.memref_squeeze %dma_start3A_550 : memref<1x256x128xf32, #tpu.memory_space<hbm>> -> memref<256x128xf32, #tpu.memory_space<hbm>>
    %dma_start3A_552 = arith.constant 0 : i32
    %dma_start3A_553 = tpu.memref_slice %arg4[%add3A_548, %mul3A_4, %dma_start3A_552] : memref<50x4096x128xf32, #tpu.memory_space<hbm>> -> memref<1x256x128xf32, #tpu.memory_space<hbm>>
    %dma_start3A_554 = tpu.memref_squeeze %dma_start3A_553 : memref<1x256x128xf32, #tpu.memory_space<hbm>> -> memref<256x128xf32, #tpu.memory_space<hbm>>
    tpu.enqueue_dma source(%arg7 : memref<256x128xf32, #tpu.memory_space<vmem>>) target(%dma_start3A_554 : memref<256x128xf32, #tpu.memory_space<hbm>>) target_semaphore(%arg10 : memref<!tpu.dma_semaphore, #tpu.memory_space<semaphore_mem>>)
    %dma_wait3A_555 = arith.constant 0 : i32
    %dma_wait3A_556 = tpu.memref_slice %arg4[%add3A_524, %mul3A_4, %dma_wait3A_555] : memref<50x4096x128xf32, #tpu.memory_space<hbm>> -> memref<1x256x128xf32, #tpu.memory_space<hbm>>
    %dma_wait3A_557 = tpu.memref_squeeze %dma_wait3A_556 : memref<1x256x128xf32, #tpu.memory_space<hbm>> -> memref<256x128xf32, #tpu.memory_space<hbm>>
    %dma_wait3A_558 = arith.constant 0 : i32
    %dma_wait3A_559 = tpu.memref_slice %arg4[%add3A_524, %mul3A_4, %dma_wait3A_558] : memref<50x4096x128xf32, #tpu.memory_space<hbm>> -> memref<1x256x128xf32, #tpu.memory_space<hbm>>
    %dma_wait3A_560 = tpu.memref_squeeze %dma_wait3A_559 : memref<1x256x128xf32, #tpu.memory_space<hbm>> -> memref<256x128xf32, #tpu.memory_space<hbm>>
    tpu.wait_dma2 semaphore(%arg10 : memref<!tpu.dma_semaphore, #tpu.memory_space<semaphore_mem>>) src(%arg6 : memref<256x128xf32, #tpu.memory_space<vmem>>) dst(%dma_wait3A_560 : memref<256x128xf32, #tpu.memory_space<hbm>>)
    %dma_wait3A_561 = arith.constant 5888 : i32
    %dma_wait3A_562 = tpu.memref_slice %arg5[%dma_wait3A_561] : memref<6400xi32, #tpu.memory_space<vmem>> -> memref<256xi32, #tpu.memory_space<vmem>>
    %dma_wait3A_563 = arith.constant 0 : i32
    %dma_wait3A_564 = arith.constant 0 : i32
    %dma_wait3A_565 = tpu.memref_slice %arg2[%dma_wait3A_563, %dma_wait3A_564] : memref<100000x128xf32, #tpu.memory_space<hbm>> -> memref<100000x128xf32, #tpu.memory_space<hbm>>
    tpu.wait_indirect_dma semaphore(%arg9 : memref<!tpu.dma_semaphore, #tpu.memory_space<semaphore_mem>>) src(%dma_wait3A_565 : memref<100000x128xf32, #tpu.memory_space<hbm>>) dst(%arg8 : memref<256x128xf32, #tpu.memory_space<vmem>>)
    %add3A_566 = arith.constant 23 : i32
    %add3A_567 = arith.addi %mul3A_2, %add3A_566 : i32
    %dma_start3A_568 = arith.constant 0 : i32
    %dma_start3A_569 = tpu.memref_slice %arg4[%add3A_567, %mul3A_4, %dma_start3A_568] : memref<50x4096x128xf32, #tpu.memory_space<hbm>> -> memref<1x256x128xf32, #tpu.memory_space<hbm>>
    %dma_start3A_570 = tpu.memref_squeeze %dma_start3A_569 : memref<1x256x128xf32, #tpu.memory_space<hbm>> -> memref<256x128xf32, #tpu.memory_space<hbm>>
    %dma_start3A_571 = arith.constant 0 : i32
    %dma_start3A_572 = tpu.memref_slice %arg4[%add3A_567, %mul3A_4, %dma_start3A_571] : memref<50x4096x128xf32, #tpu.memory_space<hbm>> -> memref<1x256x128xf32, #tpu.memory_space<hbm>>
    %dma_start3A_573 = tpu.memref_squeeze %dma_start3A_572 : memref<1x256x128xf32, #tpu.memory_space<hbm>> -> memref<256x128xf32, #tpu.memory_space<hbm>>
    tpu.enqueue_dma source(%arg8 : memref<256x128xf32, #tpu.memory_space<vmem>>) target(%dma_start3A_573 : memref<256x128xf32, #tpu.memory_space<hbm>>) target_semaphore(%arg10 : memref<!tpu.dma_semaphore, #tpu.memory_space<semaphore_mem>>)
    %dma_wait3A_574 = arith.constant 0 : i32
    %dma_wait3A_575 = tpu.memref_slice %arg4[%add3A_548, %mul3A_4, %dma_wait3A_574] : memref<50x4096x128xf32, #tpu.memory_space<hbm>> -> memref<1x256x128xf32, #tpu.memory_space<hbm>>
    %dma_wait3A_576 = tpu.memref_squeeze %dma_wait3A_575 : memref<1x256x128xf32, #tpu.memory_space<hbm>> -> memref<256x128xf32, #tpu.memory_space<hbm>>
    %dma_wait3A_577 = arith.constant 0 : i32
    %dma_wait3A_578 = tpu.memref_slice %arg4[%add3A_548, %mul3A_4, %dma_wait3A_577] : memref<50x4096x128xf32, #tpu.memory_space<hbm>> -> memref<1x256x128xf32, #tpu.memory_space<hbm>>
    %dma_wait3A_579 = tpu.memref_squeeze %dma_wait3A_578 : memref<1x256x128xf32, #tpu.memory_space<hbm>> -> memref<256x128xf32, #tpu.memory_space<hbm>>
    tpu.wait_dma2 semaphore(%arg10 : memref<!tpu.dma_semaphore, #tpu.memory_space<semaphore_mem>>) src(%arg7 : memref<256x128xf32, #tpu.memory_space<vmem>>) dst(%dma_wait3A_579 : memref<256x128xf32, #tpu.memory_space<hbm>>)
    %dma_wait3A_580 = arith.constant 6144 : i32
    %dma_wait3A_581 = tpu.memref_slice %arg5[%dma_wait3A_580] : memref<6400xi32, #tpu.memory_space<vmem>> -> memref<256xi32, #tpu.memory_space<vmem>>
    %dma_wait3A_582 = arith.constant 0 : i32
    %dma_wait3A_583 = arith.constant 0 : i32
    %dma_wait3A_584 = tpu.memref_slice %arg2[%dma_wait3A_582, %dma_wait3A_583] : memref<100000x128xf32, #tpu.memory_space<hbm>> -> memref<100000x128xf32, #tpu.memory_space<hbm>>
    tpu.wait_indirect_dma semaphore(%arg9 : memref<!tpu.dma_semaphore, #tpu.memory_space<semaphore_mem>>) src(%dma_wait3A_584 : memref<100000x128xf32, #tpu.memory_space<hbm>>) dst(%arg6 : memref<256x128xf32, #tpu.memory_space<vmem>>)
    %add3A_585 = arith.constant 24 : i32
    %add3A_586 = arith.addi %mul3A_2, %add3A_585 : i32
    %dma_start3A_587 = arith.constant 0 : i32
    %dma_start3A_588 = tpu.memref_slice %arg4[%add3A_586, %mul3A_4, %dma_start3A_587] : memref<50x4096x128xf32, #tpu.memory_space<hbm>> -> memref<1x256x128xf32, #tpu.memory_space<hbm>>
    %dma_start3A_589 = tpu.memref_squeeze %dma_start3A_588 : memref<1x256x128xf32, #tpu.memory_space<hbm>> -> memref<256x128xf32, #tpu.memory_space<hbm>>
    %dma_start3A_590 = arith.constant 0 : i32
    %dma_start3A_591 = tpu.memref_slice %arg4[%add3A_586, %mul3A_4, %dma_start3A_590] : memref<50x4096x128xf32, #tpu.memory_space<hbm>> -> memref<1x256x128xf32, #tpu.memory_space<hbm>>
    %dma_start3A_592 = tpu.memref_squeeze %dma_start3A_591 : memref<1x256x128xf32, #tpu.memory_space<hbm>> -> memref<256x128xf32, #tpu.memory_space<hbm>>
    tpu.enqueue_dma source(%arg6 : memref<256x128xf32, #tpu.memory_space<vmem>>) target(%dma_start3A_592 : memref<256x128xf32, #tpu.memory_space<hbm>>) target_semaphore(%arg10 : memref<!tpu.dma_semaphore, #tpu.memory_space<semaphore_mem>>)
    %dma_wait3A_593 = arith.constant 0 : i32
    %dma_wait3A_594 = tpu.memref_slice %arg4[%add3A_567, %mul3A_4, %dma_wait3A_593] : memref<50x4096x128xf32, #tpu.memory_space<hbm>> -> memref<1x256x128xf32, #tpu.memory_space<hbm>>
    %dma_wait3A_595 = tpu.memref_squeeze %dma_wait3A_594 : memref<1x256x128xf32, #tpu.memory_space<hbm>> -> memref<256x128xf32, #tpu.memory_space<hbm>>
    %dma_wait3A_596 = arith.constant 0 : i32
    %dma_wait3A_597 = tpu.memref_slice %arg4[%add3A_567, %mul3A_4, %dma_wait3A_596] : memref<50x4096x128xf32, #tpu.memory_space<hbm>> -> memref<1x256x128xf32, #tpu.memory_space<hbm>>
    %dma_wait3A_598 = tpu.memref_squeeze %dma_wait3A_597 : memref<1x256x128xf32, #tpu.memory_space<hbm>> -> memref<256x128xf32, #tpu.memory_space<hbm>>
    tpu.wait_dma2 semaphore(%arg10 : memref<!tpu.dma_semaphore, #tpu.memory_space<semaphore_mem>>) src(%arg8 : memref<256x128xf32, #tpu.memory_space<vmem>>) dst(%dma_wait3A_598 : memref<256x128xf32, #tpu.memory_space<hbm>>)
    %dma_wait3A_599 = arith.constant 0 : i32
    %dma_wait3A_600 = tpu.memref_slice %arg4[%add3A_586, %mul3A_4, %dma_wait3A_599] : memref<50x4096x128xf32, #tpu.memory_space<hbm>> -> memref<1x256x128xf32, #tpu.memory_space<hbm>>
    %dma_wait3A_601 = tpu.memref_squeeze %dma_wait3A_600 : memref<1x256x128xf32, #tpu.memory_space<hbm>> -> memref<256x128xf32, #tpu.memory_space<hbm>>
    %dma_wait3A_602 = arith.constant 0 : i32
    %dma_wait3A_603 = tpu.memref_slice %arg4[%add3A_586, %mul3A_4, %dma_wait3A_602] : memref<50x4096x128xf32, #tpu.memory_space<hbm>> -> memref<1x256x128xf32, #tpu.memory_space<hbm>>
    %dma_wait3A_604 = tpu.memref_squeeze %dma_wait3A_603 : memref<1x256x128xf32, #tpu.memory_space<hbm>> -> memref<256x128xf32, #tpu.memory_space<hbm>>
    tpu.wait_dma2 semaphore(%arg10 : memref<!tpu.dma_semaphore, #tpu.memory_space<semaphore_mem>>) src(%arg6 : memref<256x128xf32, #tpu.memory_space<vmem>>) dst(%dma_wait3A_604 : memref<256x128xf32, #tpu.memory_space<hbm>>)
    return
  }
}

</mosaic_0001>

<sc_bundles>
// kernel: kernel.3.cloned.1.call-start
scs
__scs_entry_jumppad:
0x0: {  	(pc) =	sbr.rel $0x88, $3  }
0x1: {  	(tag) =	ssettag $0x0;
	lr =	simm.s32 $0x1  }
0x2: {  	[smem:$0x3F9F] =	sst lr;
	_ =	strace $0xD0000000  }
0x3: {  	_ = 	snop  }
0x4: {  	_ = 	snop  }
0x5: {  	_ = 	snop  }
0x6: {  	_ = 	snop  }
0x7: {  	_ = 	snop  }
__scs_overlays_trampoline_lowered:
0x8: {  	[smem:$0x3FAE] =	sst s0  }
0x9: {  	[smem:$0x3FAF] =	sst s1  }
0xa: {  	[smem:$0x3FB0] =	sst s2  }
0xb: {  	[smem:$0x3FB1] =	sst s3  }
0xc: {  	[smem:$0x3FB2] =	sst s4  }
0xd: {  	[smem:$0x3FB3] =	sst s5  }
0xe: {  	[smem:$0x3FB4] =	sst s6  }
0xf: {  	[smem:$0x3FB5] =	sst s7  }
0x10: {  	[smem:$0x3FB6] =	sst s8  }
0x11: {  	[smem:$0x3FB7] =	sst s9;
	s0 =	simm.s32 @!p0 $0x0  }
0x12: {  	s1 =	sld [smem:$0x3F9D];
	s0 =	simm.s32 @p0 $0x1  }
0x13: {  	[smem:$0x3FB8] =	sst s0;
	s0 =	simm.s32 @!p1 $0x0  }
0x14: {  	s2 =	sld [smem:$0x3F9C];
	s0 =	simm.s32 @p1 $0x1  }
0x15: {  	[smem:$0x3FB9] =	sst s0;
	s0 =	simm.s32 @!p2 $0x0  }
0x16: {  	s3 =	sld [smem:$0x3FDB];
	s0 =	simm.s32 @p2 $0x1  }
0x17: {  	s4 =	simm.s32 $0x1BF5;
	[smem:$0x3FBB] =	sst s0  }
0x18: {  	s0 =	sld [smem:$0x3F9E];
	_ =	swait.ge [sflag:s4], $0x0  }
0x19: {  	s7 =	sld [smem:$0x3F9F]  }
0x1a: {  	s8 =	sadd.s32 $0xFFFFE003, lr  }
0x1b: {  	s9 =	sadd.s32 $0xFFFFFEF7, lr;
	s5 =	simm.s32 $0xFFFFFFFF;
	p2 =	slt.u32 s8, $0xFFFFF086  }
0x1c: {  	p1 =	slt.u32 s9, $0xF7A;
	s5 =	simm.s32 @!p2 $0x0  }
0x1d: {  	s5 =	simm.s32 @p1 $0x1;
	p0 =	seq.s32 s7, s2  }
0x1e: {  	s7 =	smul.u32 @!p0 $0xF7A, s2;
	p2 =	seq.s32 @!p0 s5, $0x0  }
0x1f: {  	s9 =	smul.u32 $0xF7A, s1;
	s8 =	simm.s32 @!p0 $0x1BF5;
	p2 =	por !p2, p0  }
0x20: {  	[sflag:s8] =	ssyncset.s32 @!p0 $0xFFFFF086;
	s6 =	sadd.s32 @!p0 s3, s7;
	s7 =	simm.s32 @!p0 $0x108  }
0x21: {  	s3 =	sadd.s32 s3, s9;
	s6 =	sadd.s32 @!p0 $0x88, s6;
	s7 =	simm.s32 @p2 $0x1082  }
0x22: {  	[simem:s7], [sflag:s8] =	dma.local @!p0 [hbm:s6], $0xF7A  }
0x23: {  	s9 =	sor.u32 $0xD0000000, s2;
	s6 =	simm.s32 $0x108;
	_ =	swait.ge @!p0 [sflag:s8], $0x0  }
0x24: {  	s3 =	sadd.s32 $0x88, s3;
	s6 =	simm.s32 @!p1 $0x1082;
	[sflag:s4] =	ssyncset.s32 $0xFFFFF086  }
0x25: {  	[simem:s6], [sflag:s4] =	dma.local [hbm:s3], $0xF7A  }
0x26: {  	[smem:$0x3F9F] =	sst s1;
	(tag) =	ssettag s2;
	_ =	strace s9  }
0x27: {  	s1 =	sld [smem:$0x3FAF]  }
0x28: {  	s2 =	sld [smem:$0x3FB0]  }
0x29: {  	s4 =	sld [smem:$0x3FB2]  }
0x2a: {  	p0 =	seq.s32 s5, $0x0;
	s5 =	sld [smem:$0x3FB3]  }
0x2b: {  	s6 =	sld [smem:$0x3FB4]  }
0x2c: {  	s7 =	sld [smem:$0x3FB5]  }
0x2d: {  	s3 =	simm.s32 $0x108;
	s8 =	sld [smem:$0x3FB6]  }
0x2e: {  	s3 =	simm.s32 @!p0 $0x1082;
	s9 =	sld [smem:$0x3FB7]  }
0x2f: {  	lr =	sadd.s32 s0, s3;
	s0 =	sld [smem:$0x3FAE]  }
0x30: {  	s3 =	sld [smem:$0x3FB1]  }
0x31: {  	[smem:$0x3FBA] =	sst s10  }
0x32: {  	s10 =	sld [smem:$0x3FB8];
	_ =	sdelay $0x3  }
0x33: {  	p0 =	seq.s32 s10, $0x1;
	s10 =	sld [smem:$0x3FBA];
	_ =	sdelay $0x3  }
0x34: {  	[smem:$0x3FBA] =	sst s10  }
0x35: {  	s10 =	sld [smem:$0x3FB9];
	_ =	sdelay $0x3  }
0x36: {  	p1 =	seq.s32 s10, $0x1;
	s10 =	sld [smem:$0x3FBA];
	_ =	sdelay $0x3  }
0x37: {  	[smem:$0x3FBA] =	sst s10  }
0x38: {  	s10 =	sld [smem:$0x3FBB]  }
0x39: {  	_ = 	snop;
	(pc) =	sbr.ind lr, $3  }
0x3a: {  	_ = 	snop  }
0x3b: {  	_ = 	snop  }
0x3c: {  	p2 =	seq.s32 s10, $0x1;
	s10 =	sld [smem:$0x3FBA]  }
0x3d: {  	_ =	shalt  }
0x3e: {  	_ =	shalt  }
0x3f: {  	_ =	shalt  }
0x40: {  	_ =	shalt  }
0x41: {  	_ =	shalt  }
0x42: {  	_ =	shalt  }
0x43: {  	_ =	shalt  }
0x44: {  	_ =	shalt  }
0x45: {  	_ =	shalt  }
0x46: {  	_ =	shalt  }
0x47: {  	_ =	shalt  }
0x48: {  	_ =	shalt  }
0x49: {  	_ =	shalt  }
0x4a: {  	_ =	shalt  }
0x4b: {  	_ =	shalt  }
0x4c: {  	_ =	shalt  }
0x4d: {  	_ =	shalt  }
0x4e: {  	_ =	shalt  }
0x4f: {  	_ =	shalt  }
0x50: {  	_ =	shalt  }
0x51: {  	_ =	shalt  }
0x52: {  	_ =	shalt  }
0x53: {  	_ =	shalt  }
0x54: {  	_ =	shalt  }
0x55: {  	_ =	shalt  }
0x56: {  	_ =	shalt  }
0x57: {  	_ =	shalt  }
0x58: {  	_ =	shalt  }
0x59: {  	_ =	shalt  }
0x5a: {  	_ =	shalt  }
0x5b: {  	_ =	shalt  }
0x5c: {  	_ =	shalt  }
0x5d: {  	_ =	shalt  }
0x5e: {  	_ =	shalt  }
0x5f: {  	_ =	shalt  }
0x60: {  	_ =	shalt  }
0x61: {  	_ =	shalt  }
0x62: {  	_ =	shalt  }
0x63: {  	_ =	shalt  }
0x64: {  	_ =	shalt  }
0x65: {  	_ =	shalt  }
0x66: {  	_ =	shalt  }
0x67: {  	_ =	shalt  }
0x68: {  	_ =	shalt  }
0x69: {  	_ =	shalt  }
0x6a: {  	_ =	shalt  }
0x6b: {  	_ =	shalt  }
0x6c: {  	_ =	shalt  }
0x6d: {  	_ =	shalt  }
0x6e: {  	_ =	shalt  }
0x6f: {  	_ =	shalt  }
0x70: {  	_ =	shalt  }
0x71: {  	_ =	shalt  }
0x72: {  	_ =	shalt  }
0x73: {  	_ =	shalt  }
0x74: {  	_ =	shalt  }
0x75: {  	_ =	shalt  }
0x76: {  	_ =	shalt  }
0x77: {  	_ =	shalt  }
0x78: {  	_ =	shalt  }
0x79: {  	_ =	shalt  }
0x7a: {  	_ =	shalt  }
0x7b: {  	_ =	shalt  }
0x7c: {  	_ =	shalt  }
0x7d: {  	_ =	shalt  }
0x7e: {  	_ =	shalt  }
0x7f: {  	_ =	shalt  }
0x80: {  	_ =	shalt  }
0x81: {  	_ =	shalt  }
0x82: {  	_ =	shalt  }
0x83: {  	_ =	shalt  }
0x84: {  	_ =	shalt  }
0x85: {  	_ =	shalt  }
0x86: {  	_ =	shalt  }
0x87: {  	_ =	shalt  }
.Lfunc_end0:
.L_simem_size_0:
called_computation_lowered:
.L_overlay_start_0:
0x88: {  	s2 =	sld [smem:$0x3FD9]  }
0x89: {  	s3 =	sld [smem:$0x3FFE];
	_ =	sdelay $0x1  }
0x8a: {  	s1 =	srdreg.scid  }
0x8b: {  	s0 =	sand.u32 $0x1, s1  }
0x8c: {  	s17 =	sshll.u32 s0, $0xA;
	s2 =	sadd.s32 s3, s2  }
0x8d: {  	s2 =	sadd.s32 s2, s17  }
0x8e: {  	[smem:$0x3FC6] =	sst s2  }
0x8f: {  	_ = 	snop  }
0x90: {  	s2 =	sld [smem:$0x3FC8]  }
0x91: {  	s18 =	sld [smem:$0x3FD0];
	(tm) =	ssettm $0x1  }
0x92: {  	s4 =	sld [smem:$0x3FFB];
	_ =	sdelay $0x3  }
0x93: {  	_ =	strace s4  }
0x94: {  	s4 =	sld [smem:$0x3FFC];
	_ =	sdelay $0x3  }
0x95: {  	_ =	strace s4  }
0x96: {  	s4 =	sld [smem:$0x3FFD];
	_ =	sdelay $0x3  }
0x97: {  	_ =	strace s4  }
0x98: {  	_ =	strace $0x8FFFFFFF  }
0x99: {  	s19 =	sld [smem:$0x3FDB];
	_ =	sdelay $0x1  }
0x9a: {  	s5 =	simm.s32 $_scs_section_size  }
0x9b: {  	s6 =	simm.s32 $_size__tile_overlayer_lowered;
	s7 =	simm.s32 $_tile_overlayer_lowered  }
0x9c: {  	s22 =	simm.s32 $0x1BFF;
	s21 =	sshll.u32 s7, $0x1;
	s4 =	sadd.s32 s5, s19  }
0x9d: {  	s8 =	simm.s32 $0x0;
	s20 =	sshll.u32 s6, $0x1;
	s6 =	sadd.s32 s21, s4  }
0x9e: {  	[timem:s8], [sflag:s22] =	dma.local [hbm:s6], s20  }
0x9f: {  	_ =	swait.ge [sflag:s22], s20  }
0xa0: {  	s5 =	ssub.s32 $0x0, s20;
	[sflag:s22] =	ssyncset.done $0x0  }
0xa1: {  	[sflag:s22] =	ssyncadd.s32 s5;
	_ =	sdelay $0x1  }
0xa2: {  	s23 =	simm.s32 $0x1B8B  }
0xa3: {  	_ =	swait.ge [sflag:s23], $0x1  }
0xa4: {  	[sflag:s23] =	ssyncset.done $0x0  }
0xa5: {  	s25 =	simm.s32 $0x1B8E;
	s24 =	sld [smem:$0x3FFE];
	[sflag:s23] =	ssyncadd.s32 $0xFFFFFFFF  }
0xa6: {  	s26 =	simm.s32 $execute0_lowered;
	[smem:$0x3FD2] =	sst s25  }
0xa7: {  	s6 =	sshll.u32 s26, $0x1;
	_ =	strace $0x80000046;
	[dreg:$0x1] =	wrdreg $0xFFFFFFFF  }
0xa8: {  	s28 =	simm.s32 $_size_execute0_lowered;
	s4 =	sadd.s32 s4, s6;
	[dreg:$0x0] =	wrdreg $0x0  }
0xa9: {  	s6 =	sshll.u32 s28, $0x1;
	[dreg:$0x2] =	wrdreg s4  }
0xaa: {  	[dreg:$0x3] =	wrdreg s6  }
0xab: {  	[dreg:$0x4] =	wrdreg $0xC0  }
0xac: {  	_ =	task [dreg:s8], $0x5FFFF  }
0xad: {  	[dreg:$0x1] =	wrdreg $0xFFFFFFFF  }
0xae: {  	[dreg:$0x0] =	wrdreg $0x60  }
0xaf: {  	[dreg:$0x2] =	wrdreg s2  }
0xb0: {  	[dreg:$0x3] =	wrdreg s24  }
0xb1: {  	[dreg:$0x4] =	wrdreg s18  }
0xb2: {  	[dreg:$0x5] =	wrdreg $0x9  }
0xb3: {  	_ =	task.clear_ibuf [dreg:s8], $0x6FFFF;
	_ =	strace $0x90000046  }
0xb4: {  	s29 =	simm.s32 $0x9;
	_ =	strace $0x80000048  }
0xb5: {  	_ =	swait.ge [sflag:s29], $0x1  }
0xb6: {  	[sflag:s29] =	ssyncadd.s32 $0xFFFFFFFF  }
0xb7: {  	_ =	strace $0x90000048  }
0xb8: {  	_ =	sfence  }
0xb9: {  	s30 =	sld [smem:$0x0];
	_ =	sdelay $0x2  }
0xba: {  	s31 =	sshll.u32 s1, $0xD;
	s1 =	sshrl.u32 s1, $0x2  }
0xbb: {  	s3 =	sand.u32 $0x4000, s31;
	s1 =	sadd.s32 s1, s30  }
0xbc: {  	s0 =	sor.u32 s3, s0;
	s1 =	sshll.u32 s1, $0x11  }
0xbd: {  	s0 =	sor.u32 s1, s0  }
0xbe: {  	s0 =	sadd.s32 $0x8F2B, s0  }
0xbf: {  	[sflag:s0] =	ssyncadd.remote.s32 $0x1  }
0xc0: {  	_ =	sfence.sel $0xFFFF  }
0xc1: {  	[dreg:$0x0] =	wrdreg $0xFFFFFFFF;
	(pc) =	sbr.abs _section_cstart, $3  }
0xc2: {  	[dreg:$0x1] =	wrdreg $0xFFFFFFFF  }
0xc3: {  	_ =	task.clear_ibuf [dreg:s8], $0x2FFFF;
	_ =	strace $0x9FFFFFFF  }
0xc4: {  	(tm) =	ssettm $0x7FFFFFFF  }
0xc5: {  	_ =	shalt  }
tec
execute0_lowered:
.L_overlay_start_1:
0x0: {  	(tag) =	ssettag $0x1  }
0x1: {  	s3 =	rddreg [dreg:$0x0]  }
0x2: {  	s0 =	srdreg.scid;
	s4 =	rddreg [dreg:$0x1]  }
0x3: {  	s10 =	stileid.u32;
	s1 =	rddreg [dreg:$0x2]  }
0x4: {  	s31 =	simm.s32 $0x3;
	s30 =	simm.s32 $0x600;
	s0 =	sand.u32 $0x1, s0  }
0x5: {  	s29 =	simm.s32 $0x700;
	s28 =	simm.s32 $0x800;
	s2 =	sshll.u32 s0, $0x4  }
0x6: {  	s6 =	smul.u32 $0xC80000, s0;
	s5 =	sor.u32 s10, s2;
	s2 =	simm.s32 $0x0  }
0x7: {  	p0 =	por $0x0, $0x0;
	s7 =	sshll.u32 s10, $0xF;
	[smem:$0x7FF] =	sst s2  }
0x8: {  	s5 =	smul.u32 $0x320, s5;
	s6 =	sor.u32 s7, s6;
	_ =	strace $0x80000047  }
0x9: {  	s7 =	sshrl.u32 s6, $0x3;
	s19 =	sadd.s32 $0x80000, s6;
	s21 =	sadd.s32 $0x100000, s6  }
0xa: {  	s22 =	sadd.s32 $0x180000, s6;
	s26 =	sadd.s32 $0x200000, s6;
	s9 =	sadd.s32 $0x300000, s6  }
0xb: {  	s14 =	sadd.s32 $0x380000, s6;
	s16 =	sadd.s32 $0x400000, s6;
	s8 =	sadd.s32 s5, s4  }
0xc: {  	s4 =	ssub.s32 $0x2, s0;
	s18 =	sadd.s32 s1, s7;
	s20 =	sshrl.u32 s19, $0x3  }
0xd: {  	s7 =	sshrl.u32 s21, $0x3;
	s24 =	sshrl.u32 s22, $0x3;
	s12 =	sshrl.u32 s9, $0x3  }
0xe: {  	s15 =	sshrl.u32 s14, $0x3;
	s21 =	sadd.s32 $0x500000, s6;
	s5 =	sshrl.u32 s4, $0x1  }
0xf: {  	s17 =	sadd.s32 $0x400, s8;
	[dreg:$0x5] =	wrdreg s18;
	s0 =	sadd.s32 s1, s20  }
0x10: {  	s23 =	sadd.s32 s1, s7;
	s25 =	sadd.s32 s1, s24;
	[dreg:$0x4] =	wrdreg s17  }
0x11: {  	s7 =	sshrl.u32 s26, $0x3;
	s8 =	sadd.s32 $0x280000, s6;
	[dreg:$0x6] =	wrdreg s0  }
0x12: {  	s13 =	sadd.s32 s1, s12;
	s22 =	sshrl.u32 s21, $0x3;
	[dreg:$0x7] =	wrdreg s23  }
0x13: {  	s24 =	sadd.s32 $0x600000, s6;
	s12 =	sadd.s32 $0x780000, s6;
	[dreg:$0x8] =	wrdreg s25  }
0x14: {  	s0 =	sadd.s32 s1, s7;
	s7 =	sshrl.u32 s8, $0x3;
	[dreg:$0xb] =	wrdreg s13  }
0x15: {  	s17 =	sadd.s32 $0x480000, s6;
	s23 =	sadd.s32 $0x580000, s6;
	s26 =	sshrl.u32 s24, $0x3  }
0x16: {  	s8 =	sadd.s32 $0x680000, s6;
	s14 =	sshrl.u32 s12, $0x3;
	s4 =	ssub.s32 s4, s5  }
0x17: {  	s5 =	simm.s32 $0x2;
	[dreg:$0x9] =	wrdreg s0;
	s11 =	sadd.s32 s1, s7  }
0x18: {  	s0 =	sadd.s32 s1, s15;
	s7 =	sshrl.u32 s16, $0x3;
	s19 =	sshrl.u32 s17, $0x3  }
0x19: {  	s9 =	sshrl.u32 s8, $0x3;
	s15 =	sadd.s32 s1, s14;
	[dreg:$0xa] =	wrdreg s11  }
0x1a: {  	s16 =	sadd.s32 $0x800000, s6;
	[dreg:$0xc] =	wrdreg s0;
	s18 =	sadd.s32 s1, s7  }
0x1b: {  	s20 =	sadd.s32 s1, s19;
	s0 =	sadd.s32 s1, s22;
	s7 =	sshrl.u32 s23, $0x3  }
0x1c: {  	s11 =	sadd.s32 $0x700000, s6;
	[dreg:$0x14] =	wrdreg s15;
	s17 =	sshrl.u32 s16, $0x3  }
0x1d: {  	s19 =	sadd.s32 $0x900000, s6;
	s23 =	sadd.s32 $0x980000, s6;
	[dreg:$0xd] =	wrdreg s18  }
0x1e: {  	s16 =	smax.u32 s4, $0x1;
	s4 =	simm.s32 $0x1900;
	[dreg:$0xe] =	wrdreg s20  }
0x1f: {  	[dreg:$0xf] =	wrdreg s0;
	s25 =	sadd.s32 s1, s7;
	s7 =	sadd.s32 s1, s26  }
0x20: {  	s0 =	sadd.s32 s1, s9;
	s18 =	sadd.s32 $0x880000, s6;
	s21 =	sshrl.u32 s19, $0x3  }
0x21: {  	s24 =	sshrl.u32 s23, $0x3;
	s26 =	sadd.s32 $0xA80000, s6;
	[dreg:$0x10] =	wrdreg s25  }
0x22: {  	s23 =	simm.s32 $0xC00;
	s19 =	simm.s32 $0x1000;
	[dreg:$0x11] =	wrdreg s7  }
0x23: {  	p1 =	sne.s32 s16, $0x1;
	s7 =	sshrl.u32 s11, $0x3;
	[dreg:$0x12] =	wrdreg s0  }
0x24: {  	s0 =	sadd.s32 s1, s17;
	s22 =	sadd.s32 s1, s21;
	s25 =	sadd.s32 $0xA00000, s6  }
0x25: {  	s8 =	sshrl.u32 s26, $0x3;
	s11 =	sadd.s32 $0xB00000, s6;
	s26 =	simm.s32 $0x400  }
0x26: {  	s21 =	simm.s32 $0xE00;
	s17 =	simm.s32 $0x1200;
	[dreg:$0x15] =	wrdreg s0  }
0x27: {  	s13 =	sadd.s32 s1, s7;
	s7 =	sshrl.u32 s18, $0x3;
	[dreg:$0x17] =	wrdreg s22  }
0x28: {  	s0 =	sadd.s32 s1, s24;
	s9 =	sadd.s32 s1, s8;
	s12 =	sshrl.u32 s11, $0x3  }
0x29: {  	s24 =	simm.s32 $0x200;
	s8 =	simm.s32 $0x9900;
	[smem:$0x7FD] =	sst s26  }
0x2a: {  	s26 =	simm.s32 $0x900;
	s22 =	simm.s32 $0xD00;
	[dreg:$0x13] =	wrdreg s13  }
0x2b: {  	s18 =	simm.s32 $0x1100;
	s11 =	simm.s32 $0x1800;
	[dreg:$0x18] =	wrdreg s0  }
0x2c: {  	s20 =	sadd.s32 s1, s7;
	s7 =	sshrl.u32 s25, $0x3;
	[dreg:$0x1a] =	wrdreg s9  }
0x2d: {  	s13 =	sadd.s32 $0xB80000, s6;
	s0 =	sadd.s32 s1, s12;
	[dreg:$0x1e] =	wrdreg s24  }
0x2e: {  	s6 =	sadd.s32 $0xC00000, s6;
	s9 =	simm.s32 $0x100;
	[dreg:$0x16] =	wrdreg s20  }
0x2f: {  	s25 =	simm.s32 $0x300;
	s24 =	simm.s32 $0xB00;
	[dreg:$0x1b] =	wrdreg s0  }
0x30: {  	s12 =	simm.s32 $0x1700;
	s7 =	sadd.s32 s1, s7;
	[dreg:$0x1f] =	wrdreg s25  }
0x31: {  	s6 =	sshrl.u32 s6, $0x3;
	s25 =	simm.s32 $0xA00;
	s0 =	rddreg [dreg:$0x4]  }
.Ltmp0:
0x32: {  	s20 =	simm.s32 $0xF00;
	[dreg:$0x19] =	wrdreg s7;
	(pc) =	sbr.rel @!p1 .LBB2_1-.Ltmp0, $4  }
0x33: {  	s7 =	sshrl.u32 s13, $0x3;
	s15 =	sadd.s32 s1, s6;
	s6 =	simm.s32 $0x1  }
0x34: {  	s13 =	simm.s32 $0x1600;
	s14 =	sadd.s32 s1, s7;
	[dreg:$0x1d] =	wrdreg s15  }
0x35: {  	s7 =	simm.s32 $0x11900;
	s1 =	sadd.s32 $0xFFFFFFFF, s16;
	s16 =	simm.s32 $0x1300  }
0x36: {  	s15 =	simm.s32 $0x1400;
	[dreg:$0x1c] =	wrdreg s14;
	s14 =	simm.s32 $0x1500  }
0x37: {  	[tilespmem:s2], [sflag:$0x3] =	stream.linear.gather [hbm4b:s0+s2], $0x1900, $0x38;
	[tilespmem:$0x19900] =	vst v63  }
0x38: {  	_ =	swait.ge [sflag:s31], $0x1900  }
0x39: {  	[sflag:s31] =	ssyncset.done $0x0  }
0x3a: {  	[sflag:s31] =	ssyncadd.s32 $0xFFFFE700  }
0x3b: {  	[tilespmem:s4], [sflag:$0x1] =	stream.indirect.gather [hbm4b:s3+s9], $0x80, s2, s9, $0xb8;
	[tilespmem:$0x19900] =	vst v63  }
0x3c: {  	_ = 	snop  }
0x3d: {  	[tilespmem:s8], [sflag:$0x1] =	stream.indirect.gather [hbm4b:s3+s9], $0x80, s9, s9, $0xb8;
	[tilespmem:$0x19900] =	vst v63  }
0x3e: {  	s10 =	rddreg [dreg:$0x1e]  }
0x3f: {  	[tilespmem:s7], [sflag:$0x1] =	stream.indirect.gather [hbm4b:s3+s9], $0x80, s10, s9, $0xb8;
	[tilespmem:$0x19900] =	vst v63  }
0x40: {  	_ =	swait.ge [sflag:s6], $0x8000  }
0x41: {  	[sflag:s6] =	ssyncset.done $0x0  }
0x42: {  	s0 =	rddreg [dreg:$0x5];
	[sflag:s6] =	ssyncadd.s32 $0xFFFF8000  }
0x43: {  	[hbm4b:s0+s2] =	stream.linear.scatter [tilespmem:s4], [sflag:$0x2], $0x8000, $0x38;
	[tilespmem:$0x19900] =	vst v63  }
0x44: {  	s10 =	smov.u32 s1;
	s1 =	rddreg [dreg:$0x1f]  }
0x45: {  	[tilespmem:s4], [sflag:$0x1] =	stream.indirect.gather [hbm4b:s3+s9], $0x80, s1, s9, $0xb8;
	[tilespmem:$0x19900] =	vst v63  }
0x46: {  	_ =	swait.ge [sflag:s6], $0x8000  }
0x47: {  	[sflag:s6] =	ssyncset.done $0x0  }
0x48: {  	s1 =	rddreg [dreg:$0x6];
	[sflag:s6] =	ssyncadd.s32 $0xFFFF8000  }
0x49: {  	[hbm4b:s1+s2] =	stream.linear.scatter [tilespmem:s8], [sflag:$0x2], $0x8000, $0x38;
	[tilespmem:$0x19900] =	vst v63  }
0x4a: {  	_ =	swait.ge [sflag:s5], $0x8000  }
0x4b: {  	s1 =	sld [smem:$0x7FD]  }
0x4c: {  	[sflag:s5] =	ssyncset.done $0x0  }
0x4d: {  	[sflag:s5] =	ssyncadd.s32 $0xFFFF8000  }
0x4e: {  	[tilespmem:s8], [sflag:$0x1] =	stream.indirect.gather [hbm4b:s3+s9], $0x80, s1, s9, $0xb8;
	[tilespmem:$0x19900] =	vst v63  }
0x4f: {  	_ =	swait.ge [sflag:s6], $0x8000  }
0x50: {  	[sflag:s6] =	ssyncset.done $0x0  }
0x51: {  	s1 =	rddreg [dreg:$0x7];
	[sflag:s6] =	ssyncadd.s32 $0xFFFF8000  }
0x52: {  	[hbm4b:s1+s2] =	stream.linear.scatter [tilespmem:s7], [sflag:$0x2], $0x8000, $0x38;
	[tilespmem:$0x19900] =	vst v63  }
0x53: {  	_ =	swait.ge [sflag:s5], $0x8000  }
0x54: {  	[sflag:s5] =	ssyncset.done $0x0  }
0x55: {  	s1 =	simm.s32 $0x500;
	[sflag:s5] =	ssyncadd.s32 $0xFFFF8000  }
0x56: {  	[tilespmem:s7], [sflag:$0x1] =	stream.indirect.gather [hbm4b:s3+s9], $0x80, s1, s9, $0xb8;
	[tilespmem:$0x19900] =	vst v63  }
0x57: {  	_ =	swait.ge [sflag:s6], $0x8000  }
0x58: {  	[sflag:s6] =	ssyncset.done $0x0  }
0x59: {  	s1 =	rddreg [dreg:$0x8];
	[sflag:s6] =	ssyncadd.s32 $0xFFFF8000  }
0x5a: {  	[hbm4b:s1+s2] =	stream.linear.scatter [tilespmem:s4], [sflag:$0x2], $0x8000, $0x38;
	[tilespmem:$0x19900] =	vst v63  }
0x5b: {  	_ =	swait.ge [sflag:s5], $0x8000  }
0x5c: {  	[sflag:s5] =	ssyncset.done $0x0  }
0x5d: {  	[sflag:s5] =	ssyncadd.s32 $0xFFFF8000  }
0x5e: {  	[tilespmem:s4], [sflag:$0x1] =	stream.indirect.gather [hbm4b:s3+s9], $0x80, s30, s9, $0xb8;
	[tilespmem:$0x19900] =	vst v63  }
0x5f: {  	_ =	swait.ge [sflag:s6], $0x8000  }
0x60: {  	[sflag:s6] =	ssyncset.done $0x0  }
0x61: {  	s1 =	rddreg [dreg:$0x9];
	[sflag:s6] =	ssyncadd.s32 $0xFFFF8000  }
0x62: {  	[hbm4b:s1+s2] =	stream.linear.scatter [tilespmem:s8], [sflag:$0x2], $0x8000, $0x38;
	[tilespmem:$0x19900] =	vst v63  }
0x63: {  	_ =	swait.ge [sflag:s5], $0x8000  }
0x64: {  	[sflag:s5] =	ssyncset.done $0x0  }
0x65: {  	[sflag:s5] =	ssyncadd.s32 $0xFFFF8000  }
0x66: {  	[tilespmem:s8], [sflag:$0x1] =	stream.indirect.gather [hbm4b:s3+s9], $0x80, s29, s9, $0xb8;
	[tilespmem:$0x19900] =	vst v63  }
0x67: {  	_ =	swait.ge [sflag:s6], $0x8000  }
0x68: {  	[sflag:s6] =	ssyncset.done $0x0  }
0x69: {  	s1 =	rddreg [dreg:$0xa];
	[sflag:s6] =	ssyncadd.s32 $0xFFFF8000  }
0x6a: {  	[hbm4b:s1+s2] =	stream.linear.scatter [tilespmem:s7], [sflag:$0x2], $0x8000, $0x38;
	[tilespmem:$0x19900] =	vst v63  }
0x6b: {  	_ =	swait.ge [sflag:s5], $0x8000  }
0x6c: {  	[sflag:s5] =	ssyncset.done $0x0  }
0x6d: {  	[sflag:s5] =	ssyncadd.s32 $0xFFFF8000  }
0x6e: {  	[tilespmem:s7], [sflag:$0x1] =	stream.indirect.gather [hbm4b:s3+s9], $0x80, s28, s9, $0xb8;
	[tilespmem:$0x19900] =	vst v63  }
0x6f: {  	_ =	swait.ge [sflag:s6], $0x8000  }
0x70: {  	[sflag:s6] =	ssyncset.done $0x0  }
0x71: {  	s1 =	rddreg [dreg:$0xb];
	[sflag:s6] =	ssyncadd.s32 $0xFFFF8000  }
0x72: {  	[hbm4b:s1+s2] =	stream.linear.scatter [tilespmem:s4], [sflag:$0x2], $0x8000, $0x38;
	[tilespmem:$0x19900] =	vst v63  }
0x73: {  	_ =	swait.ge [sflag:s5], $0x8000  }
0x74: {  	[sflag:s5] =	ssyncset.done $0x0  }
0x75: {  	[sflag:s5] =	ssyncadd.s32 $0xFFFF8000  }
0x76: {  	[tilespmem:s4], [sflag:$0x1] =	stream.indirect.gather [hbm4b:s3+s9], $0x80, s26, s9, $0xb8;
	[tilespmem:$0x19900] =	vst v63  }
0x77: {  	_ =	swait.ge [sflag:s6], $0x8000  }
0x78: {  	[sflag:s6] =	ssyncset.done $0x0  }
0x79: {  	s1 =	rddreg [dreg:$0xc];
	[sflag:s6] =	ssyncadd.s32 $0xFFFF8000  }
0x7a: {  	[hbm4b:s1+s2] =	stream.linear.scatter [tilespmem:s8], [sflag:$0x2], $0x8000, $0x38;
	[tilespmem:$0x19900] =	vst v63  }
0x7b: {  	_ =	swait.ge [sflag:s5], $0x8000  }
0x7c: {  	[sflag:s5] =	ssyncset.done $0x0  }
0x7d: {  	[sflag:s5] =	ssyncadd.s32 $0xFFFF8000  }
0x7e: {  	[tilespmem:s8], [sflag:$0x1] =	stream.indirect.gather [hbm4b:s3+s9], $0x80, s25, s9, $0xb8;
	[tilespmem:$0x19900] =	vst v63  }
0x7f: {  	_ =	swait.ge [sflag:s6], $0x8000  }
0x80: {  	[sflag:s6] =	ssyncset.done $0x0  }
0x81: {  	s1 =	rddreg [dreg:$0xd];
	[sflag:s6] =	ssyncadd.s32 $0xFFFF8000  }
0x82: {  	[hbm4b:s1+s2] =	stream.linear.scatter [tilespmem:s7], [sflag:$0x2], $0x8000, $0x38;
	[tilespmem:$0x19900] =	vst v63  }
0x83: {  	_ =	swait.ge [sflag:s5], $0x8000  }
0x84: {  	[sflag:s5] =	ssyncset.done $0x0  }
0x85: {  	[sflag:s5] =	ssyncadd.s32 $0xFFFF8000  }
0x86: {  	[tilespmem:s7], [sflag:$0x1] =	stream.indirect.gather [hbm4b:s3+s9], $0x80, s24, s9, $0xb8;
	[tilespmem:$0x19900] =	vst v63  }
0x87: {  	_ =	swait.ge [sflag:s6], $0x8000  }
0x88: {  	[sflag:s6] =	ssyncset.done $0x0  }
0x89: {  	s1 =	rddreg [dreg:$0xe];
	[sflag:s6] =	ssyncadd.s32 $0xFFFF8000  }
0x8a: {  	[hbm4b:s1+s2] =	stream.linear.scatter [tilespmem:s4], [sflag:$0x2], $0x8000, $0x38;
	[tilespmem:$0x19900] =	vst v63  }
0x8b: {  	_ =	swait.ge [sflag:s5], $0x8000  }
0x8c: {  	[sflag:s5] =	ssyncset.done $0x0  }
0x8d: {  	[sflag:s5] =	ssyncadd.s32 $0xFFFF8000  }
0x8e: {  	[tilespmem:s4], [sflag:$0x1] =	stream.indirect.gather [hbm4b:s3+s9], $0x80, s23, s9, $0xb8;
	[tilespmem:$0x19900] =	vst v63  }
0x8f: {  	_ =	swait.ge [sflag:s6], $0x8000  }
0x90: {  	[sflag:s6] =	ssyncset.done $0x0  }
0x91: {  	s1 =	rddreg [dreg:$0xf];
	[sflag:s6] =	ssyncadd.s32 $0xFFFF8000  }
0x92: {  	[hbm4b:s1+s2] =	stream.linear.scatter [tilespmem:s8], [sflag:$0x2], $0x8000, $0x38;
	[tilespmem:$0x19900] =	vst v63  }
0x93: {  	_ =	swait.ge [sflag:s5], $0x8000  }
0x94: {  	[sflag:s5] =	ssyncset.done $0x0  }
0x95: {  	[sflag:s5] =	ssyncadd.s32 $0xFFFF8000  }
0x96: {  	[tilespmem:s8], [sflag:$0x1] =	stream.indirect.gather [hbm4b:s3+s9], $0x80, s22, s9, $0xb8;
	[tilespmem:$0x19900] =	vst v63  }
0x97: {  	_ =	swait.ge [sflag:s6], $0x8000  }
0x98: {  	[sflag:s6] =	ssyncset.done $0x0  }
0x99: {  	s1 =	rddreg [dreg:$0x10];
	[sflag:s6] =	ssyncadd.s32 $0xFFFF8000  }
0x9a: {  	[hbm4b:s1+s2] =	stream.linear.scatter [tilespmem:s7], [sflag:$0x2], $0x8000, $0x38;
	[tilespmem:$0x19900] =	vst v63  }
0x9b: {  	_ =	swait.ge [sflag:s5], $0x8000  }
0x9c: {  	[sflag:s5] =	ssyncset.done $0x0  }
0x9d: {  	[sflag:s5] =	ssyncadd.s32 $0xFFFF8000  }
0x9e: {  	[tilespmem:s7], [sflag:$0x1] =	stream.indirect.gather [hbm4b:s3+s9], $0x80, s21, s9, $0xb8;
	[tilespmem:$0x19900] =	vst v63  }
0x9f: {  	_ =	swait.ge [sflag:s6], $0x8000  }
0xa0: {  	[sflag:s6] =	ssyncset.done $0x0  }
0xa1: {  	s1 =	rddreg [dreg:$0x11];
	[sflag:s6] =	ssyncadd.s32 $0xFFFF8000  }
0xa2: {  	[hbm4b:s1+s2] =	stream.linear.scatter [tilespmem:s4], [sflag:$0x2], $0x8000, $0x38;
	[tilespmem:$0x19900] =	vst v63  }
0xa3: {  	_ =	swait.ge [sflag:s5], $0x8000  }
0xa4: {  	[sflag:s5] =	ssyncset.done $0x0  }
0xa5: {  	[sflag:s5] =	ssyncadd.s32 $0xFFFF8000  }
0xa6: {  	[tilespmem:s4], [sflag:$0x1] =	stream.indirect.gather [hbm4b:s3+s9], $0x80, s20, s9, $0xb8;
	[tilespmem:$0x19900] =	vst v63  }
0xa7: {  	_ =	swait.ge [sflag:s6], $0x8000  }
0xa8: {  	[sflag:s6] =	ssyncset.done $0x0  }
0xa9: {  	s1 =	rddreg [dreg:$0x12];
	[sflag:s6] =	ssyncadd.s32 $0xFFFF8000  }
0xaa: {  	[hbm4b:s1+s2] =	stream.linear.scatter [tilespmem:s8], [sflag:$0x2], $0x8000, $0x38;
	[tilespmem:$0x19900] =	vst v63  }
0xab: {  	_ =	swait.ge [sflag:s5], $0x8000  }
0xac: {  	[sflag:s5] =	ssyncset.done $0x0  }
0xad: {  	[sflag:s5] =	ssyncadd.s32 $0xFFFF8000  }
0xae: {  	[tilespmem:s8], [sflag:$0x1] =	stream.indirect.gather [hbm4b:s3+s9], $0x80, s19, s9, $0xb8;
	[tilespmem:$0x19900] =	vst v63  }
0xaf: {  	_ =	swait.ge [sflag:s6], $0x8000  }
0xb0: {  	[sflag:s6] =	ssyncset.done $0x0  }
0xb1: {  	s1 =	rddreg [dreg:$0x13];
	[sflag:s6] =	ssyncadd.s32 $0xFFFF8000  }
0xb2: {  	[hbm4b:s1+s2] =	stream.linear.scatter [tilespmem:s7], [sflag:$0x2], $0x8000, $0x38;
	[tilespmem:$0x19900] =	vst v63  }
0xb3: {  	_ =	swait.ge [sflag:s5], $0x8000  }
0xb4: {  	[sflag:s5] =	ssyncset.done $0x0  }
0xb5: {  	[sflag:s5] =	ssyncadd.s32 $0xFFFF8000  }
0xb6: {  	[tilespmem:s7], [sflag:$0x1] =	stream.indirect.gather [hbm4b:s3+s9], $0x80, s18, s9, $0xb8;
	[tilespmem:$0x19900] =	vst v63  }
0xb7: {  	_ =	swait.ge [sflag:s6], $0x8000  }
0xb8: {  	[sflag:s6] =	ssyncset.done $0x0  }
0xb9: {  	s1 =	rddreg [dreg:$0x14];
	[sflag:s6] =	ssyncadd.s32 $0xFFFF8000  }
0xba: {  	[hbm4b:s1+s2] =	stream.linear.scatter [tilespmem:s4], [sflag:$0x2], $0x8000, $0x38;
	[tilespmem:$0x19900] =	vst v63  }
0xbb: {  	_ =	swait.ge [sflag:s5], $0x8000  }
0xbc: {  	[sflag:s5] =	ssyncset.done $0x0  }
0xbd: {  	[sflag:s5] =	ssyncadd.s32 $0xFFFF8000  }
0xbe: {  	[tilespmem:s4], [sflag:$0x1] =	stream.indirect.gather [hbm4b:s3+s9], $0x80, s17, s9, $0xb8;
	[tilespmem:$0x19900] =	vst v63  }
0xbf: {  	_ =	swait.ge [sflag:s6], $0x8000  }
0xc0: {  	[sflag:s6] =	ssyncset.done $0x0  }
0xc1: {  	s1 =	rddreg [dreg:$0x15];
	[sflag:s6] =	ssyncadd.s32 $0xFFFF8000  }
0xc2: {  	[hbm4b:s1+s2] =	stream.linear.scatter [tilespmem:s8], [sflag:$0x2], $0x8000, $0x38;
	[tilespmem:$0x19900] =	vst v63  }
0xc3: {  	_ =	swait.ge [sflag:s5], $0x8000  }
0xc4: {  	[sflag:s5] =	ssyncset.done $0x0  }
0xc5: {  	[sflag:s5] =	ssyncadd.s32 $0xFFFF8000  }
0xc6: {  	[tilespmem:s8], [sflag:$0x1] =	stream.indirect.gather [hbm4b:s3+s9], $0x80, s16, s9, $0xb8;
	[tilespmem:$0x19900] =	vst v63  }
0xc7: {  	_ =	swait.ge [sflag:s6], $0x8000  }
0xc8: {  	[sflag:s6] =	ssyncset.done $0x0  }
0xc9: {  	s1 =	rddreg [dreg:$0x16];
	[sflag:s6] =	ssyncadd.s32 $0xFFFF8000  }
0xca: {  	[hbm4b:s1+s2] =	stream.linear.scatter [tilespmem:s7], [sflag:$0x2], $0x8000, $0x38;
	[tilespmem:$0x19900] =	vst v63  }
0xcb: {  	_ =	swait.ge [sflag:s5], $0x8000  }
0xcc: {  	[sflag:s5] =	ssyncset.done $0x0  }
0xcd: {  	[sflag:s5] =	ssyncadd.s32 $0xFFFF8000  }
0xce: {  	[tilespmem:s7], [sflag:$0x1] =	stream.indirect.gather [hbm4b:s3+s9], $0x80, s15, s9, $0xb8;
	[tilespmem:$0x19900] =	vst v63  }
0xcf: {  	_ =	swait.ge [sflag:s6], $0x8000  }
0xd0: {  	[sflag:s6] =	ssyncset.done $0x0  }
0xd1: {  	s1 =	rddreg [dreg:$0x17];
	[sflag:s6] =	ssyncadd.s32 $0xFFFF8000  }
0xd2: {  	[hbm4b:s1+s2] =	stream.linear.scatter [tilespmem:s4], [sflag:$0x2], $0x8000, $0x38;
	[tilespmem:$0x19900] =	vst v63  }
0xd3: {  	_ =	swait.ge [sflag:s5], $0x8000  }
0xd4: {  	[sflag:s5] =	ssyncset.done $0x0  }
0xd5: {  	[sflag:s5] =	ssyncadd.s32 $0xFFFF8000  }
0xd6: {  	[tilespmem:s4], [sflag:$0x1] =	stream.indirect.gather [hbm4b:s3+s9], $0x80, s14, s9, $0xb8;
	[tilespmem:$0x19900] =	vst v63  }
0xd7: {  	_ =	swait.ge [sflag:s6], $0x8000  }
0xd8: {  	[sflag:s6] =	ssyncset.done $0x0  }
0xd9: {  	s1 =	rddreg [dreg:$0x18];
	[sflag:s6] =	ssyncadd.s32 $0xFFFF8000  }
0xda: {  	[hbm4b:s1+s2] =	stream.linear.scatter [tilespmem:s8], [sflag:$0x2], $0x8000, $0x38;
	[tilespmem:$0x19900] =	vst v63  }
0xdb: {  	_ =	swait.ge [sflag:s5], $0x8000  }
0xdc: {  	[sflag:s5] =	ssyncset.done $0x0  }
0xdd: {  	[sflag:s5] =	ssyncadd.s32 $0xFFFF8000  }
0xde: {  	[tilespmem:s8], [sflag:$0x1] =	stream.indirect.gather [hbm4b:s3+s9], $0x80, s13, s9, $0xb8;
	[tilespmem:$0x19900] =	vst v63  }
0xdf: {  	_ =	swait.ge [sflag:s6], $0x8000  }
0xe0: {  	[sflag:s6] =	ssyncset.done $0x0  }
0xe1: {  	s1 =	rddreg [dreg:$0x19];
	[sflag:s6] =	ssyncadd.s32 $0xFFFF8000  }
0xe2: {  	[hbm4b:s1+s2] =	stream.linear.scatter [tilespmem:s7], [sflag:$0x2], $0x8000, $0x38;
	[tilespmem:$0x19900] =	vst v63  }
0xe3: {  	_ =	swait.ge [sflag:s5], $0x8000  }
0xe4: {  	[sflag:s5] =	ssyncset.done $0x0  }
0xe5: {  	[sflag:s5] =	ssyncadd.s32 $0xFFFF8000  }
0xe6: {  	[tilespmem:s7], [sflag:$0x1] =	stream.indirect.gather [hbm4b:s3+s9], $0x80, s12, s9, $0xb8;
	[tilespmem:$0x19900] =	vst v63  }
0xe7: {  	_ =	swait.ge [sflag:s6], $0x8000  }
0xe8: {  	[sflag:s6] =	ssyncset.done $0x0  }
0xe9: {  	s1 =	rddreg [dreg:$0x1a];
	[sflag:s6] =	ssyncadd.s32 $0xFFFF8000  }
0xea: {  	[hbm4b:s1+s2] =	stream.linear.scatter [tilespmem:s4], [sflag:$0x2], $0x8000, $0x38;
	[tilespmem:$0x19900] =	vst v63  }
0xeb: {  	_ =	swait.ge [sflag:s5], $0x8000  }
0xec: {  	[sflag:s5] =	ssyncset.done $0x0  }
0xed: {  	[sflag:s5] =	ssyncadd.s32 $0xFFFF8000  }
0xee: {  	[tilespmem:s4], [sflag:$0x1] =	stream.indirect.gather [hbm4b:s3+s9], $0x80, s11, s9, $0xb8;
	[tilespmem:$0x19900] =	vst v63  }
0xef: {  	_ =	swait.ge [sflag:s6], $0x8000  }
0xf0: {  	[sflag:s6] =	ssyncset.done $0x0  }
0xf1: {  	s1 =	rddreg [dreg:$0x1b];
	[sflag:s6] =	ssyncadd.s32 $0xFFFF8000  }
0xf2: {  	[hbm4b:s1+s2] =	stream.linear.scatter [tilespmem:s8], [sflag:$0x2], $0x8000, $0x38;
	[tilespmem:$0x19900] =	vst v63  }
0xf3: {  	_ =	swait.ge [sflag:s5], $0x8000  }
0xf4: {  	[sflag:s5] =	ssyncset.done $0x0  }
0xf5: {  	[sflag:s5] =	ssyncadd.s32 $0xFFFF8000  }
0xf6: {  	_ =	swait.ge [sflag:s6], $0x8000  }
0xf7: {  	[sflag:s6] =	ssyncset.done $0x0  }
0xf8: {  	s1 =	rddreg [dreg:$0x1c];
	[sflag:s6] =	ssyncadd.s32 $0xFFFF8000  }
0xf9: {  	[hbm4b:s1+s2] =	stream.linear.scatter [tilespmem:s7], [sflag:$0x2], $0x8000, $0x38;
	[tilespmem:$0x19900] =	vst v63  }
0xfa: {  	_ =	swait.ge [sflag:s5], $0x8000  }
0xfb: {  	[sflag:s5] =	ssyncset.done $0x0  }
0xfc: {  	[sflag:s5] =	ssyncadd.s32 $0xFFFF8000  }
0xfd: {  	_ =	swait.ge [sflag:s6], $0x8000  }
0xfe: {  	[sflag:s6] =	ssyncset.done $0x0  }
0xff: {  	p1 =	sne.s32 s10, $0x1;
	s1 =	rddreg [dreg:$0x1d];
	[sflag:s6] =	ssyncadd.s32 $0xFFFF8000  }
0x100: {  	[hbm4b:s1+s2] =	stream.linear.scatter [tilespmem:s4], [sflag:$0x2], $0x8000, $0x38;
	[tilespmem:$0x19900] =	vst v63  }
.Ltmp1:
0x101: {  	_ =	swait.ge [sflag:s5], $0x8000;
	(pc) =	sbr.rel @!p1 .LBB2_3-.Ltmp1, $4  }
0x102: {  	[sflag:s5] =	ssyncset.done $0x0  }
0x103: {  	[sflag:s5] =	ssyncadd.s32 $0xFFFF8000  }
0x104: {  	p0 =	por $0x1, $0x1;
	_ =	swait.ge [sflag:s5], $0x8000  }
0x105: {  	s1 =	sadd.s32 $0xFFFFFFFF, s10;
	s0 =	rddreg [dreg:$0x4];
	[sflag:s5] =	ssyncset.done $0x0  }
.LBB2_4:
0x106: {  	[sflag:s5] =	ssyncadd.s32 $0xFFFF8000  }
0x107: {  	[tilespmem:s2], [sflag:$0x3] =	stream.linear.gather [hbm4b:s0+s2], $0x1900, $0x38;
	[tilespmem:$0x19900] =	vst v63  }
0x108: {  	_ =	swait.ge [sflag:s31], $0x1900  }
0x109: {  	[sflag:s31] =	ssyncset.done $0x0  }
0x10a: {  	[sflag:s31] =	ssyncadd.s32 $0xFFFFE700  }
0x10b: {  	[tilespmem:s4], [sflag:$0x1] =	stream.indirect.gather [hbm4b:s3+s9], $0x80, s2, s9, $0xb8;
	[tilespmem:$0x19900] =	vst v63  }
0x10c: {  	_ = 	snop  }
0x10d: {  	[tilespmem:s8], [sflag:$0x1] =	stream.indirect.gather [hbm4b:s3+s9], $0x80, s9, s9, $0xb8;
	[tilespmem:$0x19900] =	vst v63  }
0x10e: {  	s10 =	rddreg [dreg:$0x1e]  }
0x10f: {  	[tilespmem:s7], [sflag:$0x1] =	stream.indirect.gather [hbm4b:s3+s9], $0x80, s10, s9, $0xb8;
	[tilespmem:$0x19900] =	vst v63  }
0x110: {  	_ =	swait.ge [sflag:s6], $0x8000  }
0x111: {  	[sflag:s6] =	ssyncset.done $0x0  }
0x112: {  	s0 =	rddreg [dreg:$0x5];
	[sflag:s6] =	ssyncadd.s32 $0xFFFF8000  }
0x113: {  	[hbm4b:s0+s2] =	stream.linear.scatter [tilespmem:s4], [sflag:$0x2], $0x8000, $0x38;
	[tilespmem:$0x19900] =	vst v63  }
0x114: {  	s10 =	rddreg [dreg:$0x1f]  }
0x115: {  	[tilespmem:s4], [sflag:$0x1] =	stream.indirect.gather [hbm4b:s3+s9], $0x80, s10, s9, $0xb8;
	[tilespmem:$0x19900] =	vst v63  }
0x116: {  	_ =	swait.ge [sflag:s6], $0x8000  }
0x117: {  	[sflag:s6] =	ssyncset.done $0x0  }
0x118: {  	s10 =	rddreg [dreg:$0x6];
	[sflag:s6] =	ssyncadd.s32 $0xFFFF8000  }
0x119: {  	[hbm4b:s10+s2] =	stream.linear.scatter [tilespmem:s8], [sflag:$0x2], $0x8000, $0x38;
	[tilespmem:$0x19900] =	vst v63  }
0x11a: {  	_ =	swait.ge [sflag:s5], $0x8000  }
0x11b: {  	s10 =	sld [smem:$0x7FD]  }
0x11c: {  	[sflag:s5] =	ssyncset.done $0x0  }
0x11d: {  	[sflag:s5] =	ssyncadd.s32 $0xFFFF8000  }
0x11e: {  	[tilespmem:s8], [sflag:$0x1] =	stream.indirect.gather [hbm4b:s3+s9], $0x80, s10, s9, $0xb8;
	[tilespmem:$0x19900] =	vst v63  }
0x11f: {  	_ =	swait.ge [sflag:s6], $0x8000  }
0x120: {  	[sflag:s6] =	ssyncset.done $0x0  }
0x121: {  	s10 =	rddreg [dreg:$0x7];
	[sflag:s6] =	ssyncadd.s32 $0xFFFF8000  }
0x122: {  	[hbm4b:s10+s2] =	stream.linear.scatter [tilespmem:s7], [sflag:$0x2], $0x8000, $0x38;
	[tilespmem:$0x19900] =	vst v63  }
0x123: {  	_ =	swait.ge [sflag:s5], $0x8000  }
0x124: {  	[sflag:s5] =	ssyncset.done $0x0  }
0x125: {  	s10 =	simm.s32 $0x500;
	[sflag:s5] =	ssyncadd.s32 $0xFFFF8000  }
0x126: {  	[tilespmem:s7], [sflag:$0x1] =	stream.indirect.gather [hbm4b:s3+s9], $0x80, s10, s9, $0xb8;
	[tilespmem:$0x19900] =	vst v63  }
0x127: {  	_ =	swait.ge [sflag:s6], $0x8000  }
0x128: {  	[sflag:s6] =	ssyncset.done $0x0  }
0x129: {  	s10 =	rddreg [dreg:$0x8];
	[sflag:s6] =	ssyncadd.s32 $0xFFFF8000  }
0x12a: {  	[hbm4b:s10+s2] =	stream.linear.scatter [tilespmem:s4], [sflag:$0x2], $0x8000, $0x38;
	[tilespmem:$0x19900] =	vst v63  }
0x12b: {  	_ =	swait.ge [sflag:s5], $0x8000  }
0x12c: {  	[sflag:s5] =	ssyncset.done $0x0  }
0x12d: {  	[sflag:s5] =	ssyncadd.s32 $0xFFFF8000  }
0x12e: {  	[tilespmem:s4], [sflag:$0x1] =	stream.indirect.gather [hbm4b:s3+s9], $0x80, s30, s9, $0xb8;
	[tilespmem:$0x19900] =	vst v63  }
0x12f: {  	_ =	swait.ge [sflag:s6], $0x8000  }
0x130: {  	[sflag:s6] =	ssyncset.done $0x0  }
0x131: {  	s10 =	rddreg [dreg:$0x9];
	[sflag:s6] =	ssyncadd.s32 $0xFFFF8000  }
0x132: {  	[hbm4b:s10+s2] =	stream.linear.scatter [tilespmem:s8], [sflag:$0x2], $0x8000, $0x38;
	[tilespmem:$0x19900] =	vst v63  }
0x133: {  	_ =	swait.ge [sflag:s5], $0x8000  }
0x134: {  	[sflag:s5] =	ssyncset.done $0x0  }
0x135: {  	[sflag:s5] =	ssyncadd.s32 $0xFFFF8000  }
0x136: {  	[tilespmem:s8], [sflag:$0x1] =	stream.indirect.gather [hbm4b:s3+s9], $0x80, s29, s9, $0xb8;
	[tilespmem:$0x19900] =	vst v63  }
0x137: {  	_ =	swait.ge [sflag:s6], $0x8000  }
0x138: {  	[sflag:s6] =	ssyncset.done $0x0  }
0x139: {  	s10 =	rddreg [dreg:$0xa];
	[sflag:s6] =	ssyncadd.s32 $0xFFFF8000  }
0x13a: {  	[hbm4b:s10+s2] =	stream.linear.scatter [tilespmem:s7], [sflag:$0x2], $0x8000, $0x38;
	[tilespmem:$0x19900] =	vst v63  }
0x13b: {  	_ =	swait.ge [sflag:s5], $0x8000  }
0x13c: {  	[sflag:s5] =	ssyncset.done $0x0  }
0x13d: {  	[sflag:s5] =	ssyncadd.s32 $0xFFFF8000  }
0x13e: {  	[tilespmem:s7], [sflag:$0x1] =	stream.indirect.gather [hbm4b:s3+s9], $0x80, s28, s9, $0xb8;
	[tilespmem:$0x19900] =	vst v63  }
0x13f: {  	_ =	swait.ge [sflag:s6], $0x8000  }
0x140: {  	[sflag:s6] =	ssyncset.done $0x0  }
0x141: {  	s10 =	rddreg [dreg:$0xb];
	[sflag:s6] =	ssyncadd.s32 $0xFFFF8000  }
0x142: {  	[hbm4b:s10+s2] =	stream.linear.scatter [tilespmem:s4], [sflag:$0x2], $0x8000, $0x38;
	[tilespmem:$0x19900] =	vst v63  }
0x143: {  	_ =	swait.ge [sflag:s5], $0x8000  }
0x144: {  	[sflag:s5] =	ssyncset.done $0x0  }
0x145: {  	[sflag:s5] =	ssyncadd.s32 $0xFFFF8000  }
0x146: {  	[tilespmem:s4], [sflag:$0x1] =	stream.indirect.gather [hbm4b:s3+s9], $0x80, s26, s9, $0xb8;
	[tilespmem:$0x19900] =	vst v63  }
0x147: {  	_ =	swait.ge [sflag:s6], $0x8000  }
0x148: {  	[sflag:s6] =	ssyncset.done $0x0  }
0x149: {  	s10 =	rddreg [dreg:$0xc];
	[sflag:s6] =	ssyncadd.s32 $0xFFFF8000  }
0x14a: {  	[hbm4b:s10+s2] =	stream.linear.scatter [tilespmem:s8], [sflag:$0x2], $0x8000, $0x38;
	[tilespmem:$0x19900] =	vst v63  }
0x14b: {  	_ =	swait.ge [sflag:s5], $0x8000  }
0x14c: {  	[sflag:s5] =	ssyncset.done $0x0  }
0x14d: {  	[sflag:s5] =	ssyncadd.s32 $0xFFFF8000  }
0x14e: {  	[tilespmem:s8], [sflag:$0x1] =	stream.indirect.gather [hbm4b:s3+s9], $0x80, s25, s9, $0xb8;
	[tilespmem:$0x19900] =	vst v63  }
0x14f: {  	_ =	swait.ge [sflag:s6], $0x8000  }
0x150: {  	[sflag:s6] =	ssyncset.done $0x0  }
0x151: {  	s10 =	rddreg [dreg:$0xd];
	[sflag:s6] =	ssyncadd.s32 $0xFFFF8000  }
0x152: {  	[hbm4b:s10+s2] =	stream.linear.scatter [tilespmem:s7], [sflag:$0x2], $0x8000, $0x38;
	[tilespmem:$0x19900] =	vst v63  }
0x153: {  	_ =	swait.ge [sflag:s5], $0x8000  }
0x154: {  	[sflag:s5] =	ssyncset.done $0x0  }
0x155: {  	[sflag:s5] =	ssyncadd.s32 $0xFFFF8000  }
0x156: {  	[tilespmem:s7], [sflag:$0x1] =	stream.indirect.gather [hbm4b:s3+s9], $0x80, s24, s9, $0xb8;
	[tilespmem:$0x19900] =	vst v63  }
0x157: {  	_ =	swait.ge [sflag:s6], $0x8000  }
0x158: {  	[sflag:s6] =	ssyncset.done $0x0  }
0x159: {  	s10 =	rddreg [dreg:$0xe];
	[sflag:s6] =	ssyncadd.s32 $0xFFFF8000  }
0x15a: {  	[hbm4b:s10+s2] =	stream.linear.scatter [tilespmem:s4], [sflag:$0x2], $0x8000, $0x38;
	[tilespmem:$0x19900] =	vst v63  }
0x15b: {  	_ =	swait.ge [sflag:s5], $0x8000  }
0x15c: {  	[sflag:s5] =	ssyncset.done $0x0  }
0x15d: {  	[sflag:s5] =	ssyncadd.s32 $0xFFFF8000  }
0x15e: {  	[tilespmem:s4], [sflag:$0x1] =	stream.indirect.gather [hbm4b:s3+s9], $0x80, s23, s9, $0xb8;
	[tilespmem:$0x19900] =	vst v63  }
0x15f: {  	_ =	swait.ge [sflag:s6], $0x8000  }
0x160: {  	[sflag:s6] =	ssyncset.done $0x0  }
0x161: {  	s10 =	rddreg [dreg:$0xf];
	[sflag:s6] =	ssyncadd.s32 $0xFFFF8000  }
0x162: {  	[hbm4b:s10+s2] =	stream.linear.scatter [tilespmem:s8], [sflag:$0x2], $0x8000, $0x38;
	[tilespmem:$0x19900] =	vst v63  }
0x163: {  	_ =	swait.ge [sflag:s5], $0x8000  }
0x164: {  	[sflag:s5] =	ssyncset.done $0x0  }
0x165: {  	[sflag:s5] =	ssyncadd.s32 $0xFFFF8000  }
0x166: {  	[tilespmem:s8], [sflag:$0x1] =	stream.indirect.gather [hbm4b:s3+s9], $0x80, s22, s9, $0xb8;
	[tilespmem:$0x19900] =	vst v63  }
0x167: {  	_ =	swait.ge [sflag:s6], $0x8000  }
0x168: {  	[sflag:s6] =	ssyncset.done $0x0  }
0x169: {  	s10 =	rddreg [dreg:$0x10];
	[sflag:s6] =	ssyncadd.s32 $0xFFFF8000  }
0x16a: {  	[hbm4b:s10+s2] =	stream.linear.scatter [tilespmem:s7], [sflag:$0x2], $0x8000, $0x38;
	[tilespmem:$0x19900] =	vst v63  }
0x16b: {  	_ =	swait.ge [sflag:s5], $0x8000  }
0x16c: {  	[sflag:s5] =	ssyncset.done $0x0  }
0x16d: {  	[sflag:s5] =	ssyncadd.s32 $0xFFFF8000  }
0x16e: {  	[tilespmem:s7], [sflag:$0x1] =	stream.indirect.gather [hbm4b:s3+s9], $0x80, s21, s9, $0xb8;
	[tilespmem:$0x19900] =	vst v63  }
0x16f: {  	_ =	swait.ge [sflag:s6], $0x8000  }
0x170: {  	[sflag:s6] =	ssyncset.done $0x0  }
0x171: {  	s10 =	rddreg [dreg:$0x11];
	[sflag:s6] =	ssyncadd.s32 $0xFFFF8000  }
0x172: {  	[hbm4b:s10+s2] =	stream.linear.scatter [tilespmem:s4], [sflag:$0x2], $0x8000, $0x38;
	[tilespmem:$0x19900] =	vst v63  }
0x173: {  	_ =	swait.ge [sflag:s5], $0x8000  }
0x174: {  	[sflag:s5] =	ssyncset.done $0x0  }
0x175: {  	[sflag:s5] =	ssyncadd.s32 $0xFFFF8000  }
0x176: {  	[tilespmem:s4], [sflag:$0x1] =	stream.indirect.gather [hbm4b:s3+s9], $0x80, s20, s9, $0xb8;
	[tilespmem:$0x19900] =	vst v63  }
0x177: {  	_ =	swait.ge [sflag:s6], $0x8000  }
0x178: {  	[sflag:s6] =	ssyncset.done $0x0  }
0x179: {  	s10 =	rddreg [dreg:$0x12];
	[sflag:s6] =	ssyncadd.s32 $0xFFFF8000  }
0x17a: {  	[hbm4b:s10+s2] =	stream.linear.scatter [tilespmem:s8], [sflag:$0x2], $0x8000, $0x38;
	[tilespmem:$0x19900] =	vst v63  }
0x17b: {  	_ =	swait.ge [sflag:s5], $0x8000  }
0x17c: {  	[sflag:s5] =	ssyncset.done $0x0  }
0x17d: {  	[sflag:s5] =	ssyncadd.s32 $0xFFFF8000  }
0x17e: {  	[tilespmem:s8], [sflag:$0x1] =	stream.indirect.gather [hbm4b:s3+s9], $0x80, s19, s9, $0xb8;
	[tilespmem:$0x19900] =	vst v63  }
0x17f: {  	_ =	swait.ge [sflag:s6], $0x8000  }
0x180: {  	[sflag:s6] =	ssyncset.done $0x0  }
0x181: {  	s10 =	rddreg [dreg:$0x13];
	[sflag:s6] =	ssyncadd.s32 $0xFFFF8000  }
0x182: {  	[hbm4b:s10+s2] =	stream.linear.scatter [tilespmem:s7], [sflag:$0x2], $0x8000, $0x38;
	[tilespmem:$0x19900] =	vst v63  }
0x183: {  	_ =	swait.ge [sflag:s5], $0x8000  }
0x184: {  	[sflag:s5] =	ssyncset.done $0x0  }
0x185: {  	[sflag:s5] =	ssyncadd.s32 $0xFFFF8000  }
0x186: {  	[tilespmem:s7], [sflag:$0x1] =	stream.indirect.gather [hbm4b:s3+s9], $0x80, s18, s9, $0xb8;
	[tilespmem:$0x19900] =	vst v63  }
0x187: {  	_ =	swait.ge [sflag:s6], $0x8000  }
0x188: {  	[sflag:s6] =	ssyncset.done $0x0  }
0x189: {  	s10 =	rddreg [dreg:$0x14];
	[sflag:s6] =	ssyncadd.s32 $0xFFFF8000  }
0x18a: {  	[hbm4b:s10+s2] =	stream.linear.scatter [tilespmem:s4], [sflag:$0x2], $0x8000, $0x38;
	[tilespmem:$0x19900] =	vst v63  }
0x18b: {  	_ =	swait.ge [sflag:s5], $0x8000  }
0x18c: {  	[sflag:s5] =	ssyncset.done $0x0  }
0x18d: {  	[sflag:s5] =	ssyncadd.s32 $0xFFFF8000  }
0x18e: {  	[tilespmem:s4], [sflag:$0x1] =	stream.indirect.gather [hbm4b:s3+s9], $0x80, s17, s9, $0xb8;
	[tilespmem:$0x19900] =	vst v63  }
0x18f: {  	_ =	swait.ge [sflag:s6], $0x8000  }
0x190: {  	[sflag:s6] =	ssyncset.done $0x0  }
0x191: {  	s10 =	rddreg [dreg:$0x15];
	[sflag:s6] =	ssyncadd.s32 $0xFFFF8000  }
0x192: {  	[hbm4b:s10+s2] =	stream.linear.scatter [tilespmem:s8], [sflag:$0x2], $0x8000, $0x38;
	[tilespmem:$0x19900] =	vst v63  }
0x193: {  	_ =	swait.ge [sflag:s5], $0x8000  }
0x194: {  	[sflag:s5] =	ssyncset.done $0x0  }
0x195: {  	[sflag:s5] =	ssyncadd.s32 $0xFFFF8000  }
0x196: {  	[tilespmem:s8], [sflag:$0x1] =	stream.indirect.gather [hbm4b:s3+s9], $0x80, s16, s9, $0xb8;
	[tilespmem:$0x19900] =	vst v63  }
0x197: {  	_ =	swait.ge [sflag:s6], $0x8000  }
0x198: {  	[sflag:s6] =	ssyncset.done $0x0  }
0x199: {  	s10 =	rddreg [dreg:$0x16];
	[sflag:s6] =	ssyncadd.s32 $0xFFFF8000  }
0x19a: {  	[hbm4b:s10+s2] =	stream.linear.scatter [tilespmem:s7], [sflag:$0x2], $0x8000, $0x38;
	[tilespmem:$0x19900] =	vst v63  }
0x19b: {  	_ =	swait.ge [sflag:s5], $0x8000  }
0x19c: {  	[sflag:s5] =	ssyncset.done $0x0  }
0x19d: {  	[sflag:s5] =	ssyncadd.s32 $0xFFFF8000  }
0x19e: {  	[tilespmem:s7], [sflag:$0x1] =	stream.indirect.gather [hbm4b:s3+s9], $0x80, s15, s9, $0xb8;
	[tilespmem:$0x19900] =	vst v63  }
0x19f: {  	_ =	swait.ge [sflag:s6], $0x8000  }
0x1a0: {  	[sflag:s6] =	ssyncset.done $0x0  }
0x1a1: {  	s10 =	rddreg [dreg:$0x17];
	[sflag:s6] =	ssyncadd.s32 $0xFFFF8000  }
0x1a2: {  	[hbm4b:s10+s2] =	stream.linear.scatter [tilespmem:s4], [sflag:$0x2], $0x8000, $0x38;
	[tilespmem:$0x19900] =	vst v63  }
0x1a3: {  	_ =	swait.ge [sflag:s5], $0x8000  }
0x1a4: {  	[sflag:s5] =	ssyncset.done $0x0  }
0x1a5: {  	[sflag:s5] =	ssyncadd.s32 $0xFFFF8000  }
0x1a6: {  	[tilespmem:s4], [sflag:$0x1] =	stream.indirect.gather [hbm4b:s3+s9], $0x80, s14, s9, $0xb8;
	[tilespmem:$0x19900] =	vst v63  }
0x1a7: {  	_ =	swait.ge [sflag:s6], $0x8000  }
0x1a8: {  	[sflag:s6] =	ssyncset.done $0x0  }
0x1a9: {  	s10 =	rddreg [dreg:$0x18];
	[sflag:s6] =	ssyncadd.s32 $0xFFFF8000  }
0x1aa: {  	[hbm4b:s10+s2] =	stream.linear.scatter [tilespmem:s8], [sflag:$0x2], $0x8000, $0x38;
	[tilespmem:$0x19900] =	vst v63  }
0x1ab: {  	_ =	swait.ge [sflag:s5], $0x8000  }
0x1ac: {  	[sflag:s5] =	ssyncset.done $0x0  }
0x1ad: {  	[sflag:s5] =	ssyncadd.s32 $0xFFFF8000  }
0x1ae: {  	[tilespmem:s8], [sflag:$0x1] =	stream.indirect.gather [hbm4b:s3+s9], $0x80, s13, s9, $0xb8;
	[tilespmem:$0x19900] =	vst v63  }
0x1af: {  	_ =	swait.ge [sflag:s6], $0x8000  }
0x1b0: {  	[sflag:s6] =	ssyncset.done $0x0  }
0x1b1: {  	s10 =	rddreg [dreg:$0x19];
	[sflag:s6] =	ssyncadd.s32 $0xFFFF8000  }
0x1b2: {  	[hbm4b:s10+s2] =	stream.linear.scatter [tilespmem:s7], [sflag:$0x2], $0x8000, $0x38;
	[tilespmem:$0x19900] =	vst v63  }
0x1b3: {  	_ =	swait.ge [sflag:s5], $0x8000  }
0x1b4: {  	[sflag:s5] =	ssyncset.done $0x0  }
0x1b5: {  	[sflag:s5] =	ssyncadd.s32 $0xFFFF8000  }
0x1b6: {  	[tilespmem:s7], [sflag:$0x1] =	stream.indirect.gather [hbm4b:s3+s9], $0x80, s12, s9, $0xb8;
	[tilespmem:$0x19900] =	vst v63  }
0x1b7: {  	_ =	swait.ge [sflag:s6], $0x8000  }
0x1b8: {  	[sflag:s6] =	ssyncset.done $0x0  }
0x1b9: {  	s10 =	rddreg [dreg:$0x1a];
	[sflag:s6] =	ssyncadd.s32 $0xFFFF8000  }
0x1ba: {  	[hbm4b:s10+s2] =	stream.linear.scatter [tilespmem:s4], [sflag:$0x2], $0x8000, $0x38;
	[tilespmem:$0x19900] =	vst v63  }
0x1bb: {  	_ =	swait.ge [sflag:s5], $0x8000  }
0x1bc: {  	[sflag:s5] =	ssyncset.done $0x0  }
0x1bd: {  	[sflag:s5] =	ssyncadd.s32 $0xFFFF8000  }
0x1be: {  	[tilespmem:s4], [sflag:$0x1] =	stream.indirect.gather [hbm4b:s3+s9], $0x80, s11, s9, $0xb8;
	[tilespmem:$0x19900] =	vst v63  }
0x1bf: {  	_ =	swait.ge [sflag:s6], $0x8000  }
0x1c0: {  	[sflag:s6] =	ssyncset.done $0x0  }
0x1c1: {  	s10 =	rddreg [dreg:$0x1b];
	[sflag:s6] =	ssyncadd.s32 $0xFFFF8000  }
0x1c2: {  	[hbm4b:s10+s2] =	stream.linear.scatter [tilespmem:s8], [sflag:$0x2], $0x8000, $0x38;
	[tilespmem:$0x19900] =	vst v63  }
0x1c3: {  	_ =	swait.ge [sflag:s5], $0x8000  }
0x1c4: {  	[sflag:s5] =	ssyncset.done $0x0  }
0x1c5: {  	[sflag:s5] =	ssyncadd.s32 $0xFFFF8000  }
0x1c6: {  	_ =	swait.ge [sflag:s6], $0x8000  }
0x1c7: {  	[sflag:s6] =	ssyncset.done $0x0  }
0x1c8: {  	s10 =	rddreg [dreg:$0x1c];
	[sflag:s6] =	ssyncadd.s32 $0xFFFF8000  }
0x1c9: {  	[hbm4b:s10+s2] =	stream.linear.scatter [tilespmem:s7], [sflag:$0x2], $0x8000, $0x38;
	[tilespmem:$0x19900] =	vst v63  }
0x1ca: {  	_ =	swait.ge [sflag:s5], $0x8000  }
0x1cb: {  	[sflag:s5] =	ssyncset.done $0x0  }
0x1cc: {  	[sflag:s5] =	ssyncadd.s32 $0xFFFF8000  }
0x1cd: {  	_ =	swait.ge [sflag:s6], $0x8000  }
0x1ce: {  	[sflag:s6] =	ssyncset.done $0x0  }
0x1cf: {  	p1 =	sne.s32 s1, $0x1;
	s10 =	rddreg [dreg:$0x1d];
	[sflag:s6] =	ssyncadd.s32 $0xFFFF8000  }
0x1d0: {  	[hbm4b:s10+s2] =	stream.linear.scatter [tilespmem:s4], [sflag:$0x2], $0x8000, $0x38;
	[tilespmem:$0x19900] =	vst v63  }
.Ltmp2:
0x1d1: {  	_ =	swait.ge [sflag:s5], $0x8000;
	(pc) =	sbr.rel @p1 .LBB2_4-.Ltmp2, $4  }
0x1d2: {  	[sflag:s5] =	ssyncset.done $0x0  }
0x1d3: {  	[sflag:s5] =	ssyncadd.s32 $0xFFFF8000  }
0x1d4: {  	_ =	swait.ge [sflag:s5], $0x8000  }
0x1d5: {  	s1 =	sadd.s32 $0xFFFFFFFF, s1;
	s0 =	rddreg [dreg:$0x4];
	[sflag:s5] =	ssyncset.done $0x0  }
0x1d6: {  	s11 =	simm.s32 $0x500;
	s30 =	simm.s32 $0x600  }
0x1d7: {  	s29 =	simm.s32 $0x700;
	s28 =	simm.s32 $0x800;
	s26 =	simm.s32 $0x900  }
0x1d8: {  	s25 =	simm.s32 $0xA00;
	s24 =	simm.s32 $0xB00;
	s23 =	simm.s32 $0xC00  }
0x1d9: {  	s22 =	simm.s32 $0xD00;
	s21 =	simm.s32 $0xE00;
	s20 =	simm.s32 $0xF00  }
0x1da: {  	s19 =	simm.s32 $0x1000;
	s18 =	simm.s32 $0x1100;
	s17 =	simm.s32 $0x1200  }
0x1db: {  	s16 =	simm.s32 $0x1300;
	s15 =	simm.s32 $0x1400;
	s14 =	simm.s32 $0x1500  }
0x1dc: {  	s13 =	simm.s32 $0x1600;
	s12 =	simm.s32 $0x1700;
	s10 =	stileid.u32  }
.LBB2_6:
0x1dd: {  	[sflag:s5] =	ssyncadd.s32 @p0 $0xFFFF8000  }
0x1de: {  	[tilespmem:s2], [sflag:$0x3] =	stream.linear.gather [hbm4b:s0+s2], $0x1900, $0x38;
	[tilespmem:$0x19900] =	vst v63  }
0x1df: {  	_ =	swait.ge [sflag:s31], $0x1900  }
0x1e0: {  	[sflag:s31] =	ssyncset.done $0x0  }
0x1e1: {  	[sflag:s31] =	ssyncadd.s32 $0xFFFFE700  }
0x1e2: {  	[tilespmem:s4], [sflag:$0x1] =	stream.indirect.gather [hbm4b:s3+s9], $0x80, s2, s9, $0xb8;
	[tilespmem:$0x19900] =	vst v63  }
0x1e3: {  	_ = 	snop  }
0x1e4: {  	[tilespmem:s8], [sflag:$0x1] =	stream.indirect.gather [hbm4b:s3+s9], $0x80, s9, s9, $0xb8;
	[tilespmem:$0x19900] =	vst v63  }
0x1e5: {  	s1 =	rddreg [dreg:$0x1e]  }
0x1e6: {  	[tilespmem:s7], [sflag:$0x1] =	stream.indirect.gather [hbm4b:s3+s9], $0x80, s1, s9, $0xb8;
	[tilespmem:$0x19900] =	vst v63  }
0x1e7: {  	_ =	swait.ge [sflag:s6], $0x8000  }
0x1e8: {  	[sflag:s6] =	ssyncset.done $0x0  }
0x1e9: {  	s31 =	rddreg [dreg:$0x5];
	[sflag:s6] =	ssyncadd.s32 $0xFFFF8000  }
0x1ea: {  	[hbm4b:s31+s2] =	stream.linear.scatter [tilespmem:s4], [sflag:$0x2], $0x8000, $0x38;
	[tilespmem:$0x19900] =	vst v63  }
0x1eb: {  	s1 =	rddreg [dreg:$0x1f]  }
0x1ec: {  	[tilespmem:s4], [sflag:$0x1] =	stream.indirect.gather [hbm4b:s3+s9], $0x80, s1, s9, $0xb8;
	[tilespmem:$0x19900] =	vst v63  }
0x1ed: {  	_ =	swait.ge [sflag:s6], $0x8000  }
0x1ee: {  	[sflag:s6] =	ssyncset.done $0x0  }
0x1ef: {  	s1 =	rddreg [dreg:$0x6];
	[sflag:s6] =	ssyncadd.s32 $0xFFFF8000  }
0x1f0: {  	[hbm4b:s1+s2] =	stream.linear.scatter [tilespmem:s8], [sflag:$0x2], $0x8000, $0x38;
	[tilespmem:$0x19900] =	vst v63  }
0x1f1: {  	_ =	swait.ge [sflag:s5], $0x8000  }
0x1f2: {  	s31 =	sld [smem:$0x7FD]  }
0x1f3: {  	[sflag:s5] =	ssyncset.done $0x0  }
0x1f4: {  	[sflag:s5] =	ssyncadd.s32 $0xFFFF8000  }
0x1f5: {  	[tilespmem:s8], [sflag:$0x1] =	stream.indirect.gather [hbm4b:s3+s9], $0x80, s31, s9, $0xb8;
	[tilespmem:$0x19900] =	vst v63  }
0x1f6: {  	_ =	swait.ge [sflag:s6], $0x8000  }
0x1f7: {  	[sflag:s6] =	ssyncset.done $0x0  }
0x1f8: {  	s1 =	rddreg [dreg:$0x7];
	[sflag:s6] =	ssyncadd.s32 $0xFFFF8000  }
0x1f9: {  	[hbm4b:s1+s2] =	stream.linear.scatter [tilespmem:s7], [sflag:$0x2], $0x8000, $0x38;
	[tilespmem:$0x19900] =	vst v63  }
0x1fa: {  	_ =	swait.ge [sflag:s5], $0x8000  }
0x1fb: {  	[sflag:s5] =	ssyncset.done $0x0  }
0x1fc: {  	[sflag:s5] =	ssyncadd.s32 $0xFFFF8000  }
0x1fd: {  	[tilespmem:s7], [sflag:$0x1] =	stream.indirect.gather [hbm4b:s3+s9], $0x80, s11, s9, $0xb8;
	[tilespmem:$0x19900] =	vst v63  }
0x1fe: {  	_ =	swait.ge [sflag:s6], $0x8000  }
0x1ff: {  	[sflag:s6] =	ssyncset.done $0x0  }
0x200: {  	s11 =	rddreg [dreg:$0x8];
	[sflag:s6] =	ssyncadd.s32 $0xFFFF8000  }
0x201: {  	[hbm4b:s11+s2] =	stream.linear.scatter [tilespmem:s4], [sflag:$0x2], $0x8000, $0x38;
	[tilespmem:$0x19900] =	vst v63  }
0x202: {  	_ =	swait.ge [sflag:s5], $0x8000  }
0x203: {  	[sflag:s5] =	ssyncset.done $0x0  }
0x204: {  	[sflag:s5] =	ssyncadd.s32 $0xFFFF8000  }
0x205: {  	[tilespmem:s4], [sflag:$0x1] =	stream.indirect.gather [hbm4b:s3+s9], $0x80, s30, s9, $0xb8;
	[tilespmem:$0x19900] =	vst v63  }
0x206: {  	_ =	swait.ge [sflag:s6], $0x8000  }
0x207: {  	[sflag:s6] =	ssyncset.done $0x0  }
0x208: {  	s31 =	rddreg [dreg:$0x9];
	[sflag:s6] =	ssyncadd.s32 $0xFFFF8000  }
0x209: {  	[hbm4b:s31+s2] =	stream.linear.scatter [tilespmem:s8], [sflag:$0x2], $0x8000, $0x38;
	[tilespmem:$0x19900] =	vst v63  }
0x20a: {  	_ =	swait.ge [sflag:s5], $0x8000  }
0x20b: {  	[sflag:s5] =	ssyncset.done $0x0  }
0x20c: {  	[sflag:s5] =	ssyncadd.s32 $0xFFFF8000  }
0x20d: {  	[tilespmem:s8], [sflag:$0x1] =	stream.indirect.gather [hbm4b:s3+s9], $0x80, s29, s9, $0xb8;
	[tilespmem:$0x19900] =	vst v63  }
0x20e: {  	_ =	swait.ge [sflag:s6], $0x8000  }
0x20f: {  	[sflag:s6] =	ssyncset.done $0x0  }
0x210: {  	s1 =	rddreg [dreg:$0xa];
	[sflag:s6] =	ssyncadd.s32 $0xFFFF8000  }
0x211: {  	[hbm4b:s1+s2] =	stream.linear.scatter [tilespmem:s7], [sflag:$0x2], $0x8000, $0x38;
	[tilespmem:$0x19900] =	vst v63  }
0x212: {  	_ =	swait.ge [sflag:s5], $0x8000  }
0x213: {  	[sflag:s5] =	ssyncset.done $0x0  }
0x214: {  	[sflag:s5] =	ssyncadd.s32 $0xFFFF8000  }
0x215: {  	[tilespmem:s7], [sflag:$0x1] =	stream.indirect.gather [hbm4b:s3+s9], $0x80, s28, s9, $0xb8;
	[tilespmem:$0x19900] =	vst v63  }
0x216: {  	_ =	swait.ge [sflag:s6], $0x8000  }
0x217: {  	[sflag:s6] =	ssyncset.done $0x0  }
0x218: {  	s11 =	rddreg [dreg:$0xb];
	[sflag:s6] =	ssyncadd.s32 $0xFFFF8000  }
0x219: {  	[hbm4b:s11+s2] =	stream.linear.scatter [tilespmem:s4], [sflag:$0x2], $0x8000, $0x38;
	[tilespmem:$0x19900] =	vst v63  }
0x21a: {  	_ =	swait.ge [sflag:s5], $0x8000  }
0x21b: {  	[sflag:s5] =	ssyncset.done $0x0  }
0x21c: {  	[sflag:s5] =	ssyncadd.s32 $0xFFFF8000  }
0x21d: {  	[tilespmem:s4], [sflag:$0x1] =	stream.indirect.gather [hbm4b:s3+s9], $0x80, s26, s9, $0xb8;
	[tilespmem:$0x19900] =	vst v63  }
0x21e: {  	_ =	swait.ge [sflag:s6], $0x8000  }
0x21f: {  	[sflag:s6] =	ssyncset.done $0x0  }
0x220: {  	s26 =	rddreg [dreg:$0xc];
	[sflag:s6] =	ssyncadd.s32 $0xFFFF8000  }
0x221: {  	[hbm4b:s26+s2] =	stream.linear.scatter [tilespmem:s8], [sflag:$0x2], $0x8000, $0x38;
	[tilespmem:$0x19900] =	vst v63  }
0x222: {  	_ =	swait.ge [sflag:s5], $0x8000  }
0x223: {  	[sflag:s5] =	ssyncset.done $0x0  }
0x224: {  	[sflag:s5] =	ssyncadd.s32 $0xFFFF8000  }
0x225: {  	[tilespmem:s8], [sflag:$0x1] =	stream.indirect.gather [hbm4b:s3+s9], $0x80, s25, s9, $0xb8;
	[tilespmem:$0x19900] =	vst v63  }
0x226: {  	_ =	swait.ge [sflag:s6], $0x8000  }
0x227: {  	[sflag:s6] =	ssyncset.done $0x0  }
0x228: {  	s28 =	rddreg [dreg:$0xd];
	[sflag:s6] =	ssyncadd.s32 $0xFFFF8000  }
0x229: {  	[hbm4b:s28+s2] =	stream.linear.scatter [tilespmem:s7], [sflag:$0x2], $0x8000, $0x38;
	[tilespmem:$0x19900] =	vst v63  }
0x22a: {  	_ =	swait.ge [sflag:s5], $0x8000  }
0x22b: {  	[sflag:s5] =	ssyncset.done $0x0  }
0x22c: {  	[sflag:s5] =	ssyncadd.s32 $0xFFFF8000  }
0x22d: {  	[tilespmem:s7], [sflag:$0x1] =	stream.indirect.gather [hbm4b:s3+s9], $0x80, s24, s9, $0xb8;
	[tilespmem:$0x19900] =	vst v63  }
0x22e: {  	_ =	swait.ge [sflag:s6], $0x8000  }
0x22f: {  	[sflag:s6] =	ssyncset.done $0x0  }
0x230: {  	s29 =	rddreg [dreg:$0xe];
	[sflag:s6] =	ssyncadd.s32 $0xFFFF8000  }
0x231: {  	[hbm4b:s29+s2] =	stream.linear.scatter [tilespmem:s4], [sflag:$0x2], $0x8000, $0x38;
	[tilespmem:$0x19900] =	vst v63  }
0x232: {  	_ =	swait.ge [sflag:s5], $0x8000  }
0x233: {  	[sflag:s5] =	ssyncset.done $0x0  }
0x234: {  	[sflag:s5] =	ssyncadd.s32 $0xFFFF8000  }
0x235: {  	[tilespmem:s4], [sflag:$0x1] =	stream.indirect.gather [hbm4b:s3+s9], $0x80, s23, s9, $0xb8;
	[tilespmem:$0x19900] =	vst v63  }
0x236: {  	_ =	swait.ge [sflag:s6], $0x8000  }
0x237: {  	[sflag:s6] =	ssyncset.done $0x0  }
0x238: {  	s30 =	rddreg [dreg:$0xf];
	[sflag:s6] =	ssyncadd.s32 $0xFFFF8000  }
0x239: {  	[hbm4b:s30+s2] =	stream.linear.scatter [tilespmem:s8], [sflag:$0x2], $0x8000, $0x38;
	[tilespmem:$0x19900] =	vst v63  }
0x23a: {  	_ =	swait.ge [sflag:s5], $0x8000  }
0x23b: {  	[sflag:s5] =	ssyncset.done $0x0  }
0x23c: {  	[sflag:s5] =	ssyncadd.s32 $0xFFFF8000  }
0x23d: {  	[tilespmem:s8], [sflag:$0x1] =	stream.indirect.gather [hbm4b:s3+s9], $0x80, s22, s9, $0xb8;
	[tilespmem:$0x19900] =	vst v63  }
0x23e: {  	_ =	swait.ge [sflag:s6], $0x8000  }
0x23f: {  	[sflag:s6] =	ssyncset.done $0x0  }
0x240: {  	s31 =	rddreg [dreg:$0x10];
	[sflag:s6] =	ssyncadd.s32 $0xFFFF8000  }
0x241: {  	[hbm4b:s31+s2] =	stream.linear.scatter [tilespmem:s7], [sflag:$0x2], $0x8000, $0x38;
	[tilespmem:$0x19900] =	vst v63  }
0x242: {  	_ =	swait.ge [sflag:s5], $0x8000  }
0x243: {  	[sflag:s5] =	ssyncset.done $0x0  }
0x244: {  	[sflag:s5] =	ssyncadd.s32 $0xFFFF8000  }
0x245: {  	[tilespmem:s7], [sflag:$0x1] =	stream.indirect.gather [hbm4b:s3+s9], $0x80, s21, s9, $0xb8;
	[tilespmem:$0x19900] =	vst v63  }
0x246: {  	_ =	swait.ge [sflag:s6], $0x8000  }
0x247: {  	[sflag:s6] =	ssyncset.done $0x0  }
0x248: {  	s1 =	rddreg [dreg:$0x11];
	[sflag:s6] =	ssyncadd.s32 $0xFFFF8000  }
0x249: {  	[hbm4b:s1+s2] =	stream.linear.scatter [tilespmem:s4], [sflag:$0x2], $0x8000, $0x38;
	[tilespmem:$0x19900] =	vst v63  }
0x24a: {  	_ =	swait.ge [sflag:s5], $0x8000  }
0x24b: {  	[sflag:s5] =	ssyncset.done $0x0  }
0x24c: {  	[sflag:s5] =	ssyncadd.s32 $0xFFFF8000  }
0x24d: {  	[tilespmem:s4], [sflag:$0x1] =	stream.indirect.gather [hbm4b:s3+s9], $0x80, s20, s9, $0xb8;
	[tilespmem:$0x19900] =	vst v63  }
0x24e: {  	_ =	swait.ge [sflag:s6], $0x8000  }
0x24f: {  	[sflag:s6] =	ssyncset.done $0x0  }
0x250: {  	s11 =	rddreg [dreg:$0x12];
	[sflag:s6] =	ssyncadd.s32 $0xFFFF8000  }
0x251: {  	[hbm4b:s11+s2] =	stream.linear.scatter [tilespmem:s8], [sflag:$0x2], $0x8000, $0x38;
	[tilespmem:$0x19900] =	vst v63  }
0x252: {  	_ =	swait.ge [sflag:s5], $0x8000  }
0x253: {  	[sflag:s5] =	ssyncset.done $0x0  }
0x254: {  	[sflag:s5] =	ssyncadd.s32 $0xFFFF8000  }
0x255: {  	[tilespmem:s8], [sflag:$0x1] =	stream.indirect.gather [hbm4b:s3+s9], $0x80, s19, s9, $0xb8;
	[tilespmem:$0x19900] =	vst v63  }
0x256: {  	_ =	swait.ge [sflag:s6], $0x8000  }
0x257: {  	[sflag:s6] =	ssyncset.done $0x0  }
0x258: {  	s19 =	rddreg [dreg:$0x13];
	[sflag:s6] =	ssyncadd.s32 $0xFFFF8000  }
0x259: {  	[hbm4b:s19+s2] =	stream.linear.scatter [tilespmem:s7], [sflag:$0x2], $0x8000, $0x38;
	[tilespmem:$0x19900] =	vst v63  }
0x25a: {  	_ =	swait.ge [sflag:s5], $0x8000  }
0x25b: {  	[sflag:s5] =	ssyncset.done $0x0  }
0x25c: {  	[sflag:s5] =	ssyncadd.s32 $0xFFFF8000  }
0x25d: {  	[tilespmem:s7], [sflag:$0x1] =	stream.indirect.gather [hbm4b:s3+s9], $0x80, s18, s9, $0xb8;
	[tilespmem:$0x19900] =	vst v63  }
0x25e: {  	_ =	swait.ge [sflag:s6], $0x8000  }
0x25f: {  	[sflag:s6] =	ssyncset.done $0x0  }
0x260: {  	s20 =	rddreg [dreg:$0x14];
	[sflag:s6] =	ssyncadd.s32 $0xFFFF8000  }
0x261: {  	[hbm4b:s20+s2] =	stream.linear.scatter [tilespmem:s4], [sflag:$0x2], $0x8000, $0x38;
	[tilespmem:$0x19900] =	vst v63  }
0x262: {  	_ =	swait.ge [sflag:s5], $0x8000  }
0x263: {  	[sflag:s5] =	ssyncset.done $0x0  }
0x264: {  	[sflag:s5] =	ssyncadd.s32 $0xFFFF8000  }
0x265: {  	[tilespmem:s4], [sflag:$0x1] =	stream.indirect.gather [hbm4b:s3+s9], $0x80, s17, s9, $0xb8;
	[tilespmem:$0x19900] =	vst v63  }
0x266: {  	_ =	swait.ge [sflag:s6], $0x8000  }
0x267: {  	[sflag:s6] =	ssyncset.done $0x0  }
0x268: {  	s21 =	rddreg [dreg:$0x15];
	[sflag:s6] =	ssyncadd.s32 $0xFFFF8000  }
0x269: {  	[hbm4b:s21+s2] =	stream.linear.scatter [tilespmem:s8], [sflag:$0x2], $0x8000, $0x38;
	[tilespmem:$0x19900] =	vst v63  }
0x26a: {  	_ =	swait.ge [sflag:s5], $0x8000  }
0x26b: {  	[sflag:s5] =	ssyncset.done $0x0  }
0x26c: {  	[sflag:s5] =	ssyncadd.s32 $0xFFFF8000  }
0x26d: {  	[tilespmem:s8], [sflag:$0x1] =	stream.indirect.gather [hbm4b:s3+s9], $0x80, s16, s9, $0xb8;
	[tilespmem:$0x19900] =	vst v63  }
0x26e: {  	_ =	swait.ge [sflag:s6], $0x8000  }
0x26f: {  	[sflag:s6] =	ssyncset.done $0x0  }
0x270: {  	s22 =	rddreg [dreg:$0x16];
	[sflag:s6] =	ssyncadd.s32 $0xFFFF8000  }
0x271: {  	[hbm4b:s22+s2] =	stream.linear.scatter [tilespmem:s7], [sflag:$0x2], $0x8000, $0x38;
	[tilespmem:$0x19900] =	vst v63  }
0x272: {  	_ =	swait.ge [sflag:s5], $0x8000  }
0x273: {  	[sflag:s5] =	ssyncset.done $0x0  }
0x274: {  	[sflag:s5] =	ssyncadd.s32 $0xFFFF8000  }
0x275: {  	[tilespmem:s7], [sflag:$0x1] =	stream.indirect.gather [hbm4b:s3+s9], $0x80, s15, s9, $0xb8;
	[tilespmem:$0x19900] =	vst v63  }
0x276: {  	_ =	swait.ge [sflag:s6], $0x8000  }
0x277: {  	[sflag:s6] =	ssyncset.done $0x0  }
0x278: {  	s23 =	rddreg [dreg:$0x17];
	[sflag:s6] =	ssyncadd.s32 $0xFFFF8000  }
0x279: {  	[hbm4b:s23+s2] =	stream.linear.scatter [tilespmem:s4], [sflag:$0x2], $0x8000, $0x38;
	[tilespmem:$0x19900] =	vst v63  }
0x27a: {  	_ =	swait.ge [sflag:s5], $0x8000  }
0x27b: {  	[sflag:s5] =	ssyncset.done $0x0  }
0x27c: {  	[sflag:s5] =	ssyncadd.s32 $0xFFFF8000  }
0x27d: {  	[tilespmem:s4], [sflag:$0x1] =	stream.indirect.gather [hbm4b:s3+s9], $0x80, s14, s9, $0xb8;
	[tilespmem:$0x19900] =	vst v63  }
0x27e: {  	_ =	swait.ge [sflag:s6], $0x8000  }
0x27f: {  	[sflag:s6] =	ssyncset.done $0x0  }
0x280: {  	s24 =	rddreg [dreg:$0x18];
	[sflag:s6] =	ssyncadd.s32 $0xFFFF8000  }
0x281: {  	[hbm4b:s24+s2] =	stream.linear.scatter [tilespmem:s8], [sflag:$0x2], $0x8000, $0x38;
	[tilespmem:$0x19900] =	vst v63  }
0x282: {  	_ =	swait.ge [sflag:s5], $0x8000  }
0x283: {  	[sflag:s5] =	ssyncset.done $0x0  }
0x284: {  	[sflag:s5] =	ssyncadd.s32 $0xFFFF8000  }
0x285: {  	[tilespmem:s8], [sflag:$0x1] =	stream.indirect.gather [hbm4b:s3+s9], $0x80, s13, s9, $0xb8;
	[tilespmem:$0x19900] =	vst v63  }
0x286: {  	_ =	swait.ge [sflag:s6], $0x8000  }
0x287: {  	[sflag:s6] =	ssyncset.done $0x0  }
0x288: {  	s25 =	rddreg [dreg:$0x19];
	[sflag:s6] =	ssyncadd.s32 $0xFFFF8000  }
0x289: {  	[hbm4b:s25+s2] =	stream.linear.scatter [tilespmem:s7], [sflag:$0x2], $0x8000, $0x38;
	[tilespmem:$0x19900] =	vst v63  }
0x28a: {  	_ =	swait.ge [sflag:s5], $0x8000  }
0x28b: {  	[sflag:s5] =	ssyncset.done $0x0  }
0x28c: {  	[sflag:s5] =	ssyncadd.s32 $0xFFFF8000  }
0x28d: {  	[tilespmem:s7], [sflag:$0x1] =	stream.indirect.gather [hbm4b:s3+s9], $0x80, s12, s9, $0xb8;
	[tilespmem:$0x19900] =	vst v63  }
0x28e: {  	_ =	swait.ge [sflag:s6], $0x8000  }
0x28f: {  	[sflag:s6] =	ssyncset.done $0x0  }
0x290: {  	s26 =	rddreg [dreg:$0x1a];
	[sflag:s6] =	ssyncadd.s32 $0xFFFF8000  }
0x291: {  	[hbm4b:s26+s2] =	stream.linear.scatter [tilespmem:s4], [sflag:$0x2], $0x8000, $0x38;
	[tilespmem:$0x19900] =	vst v63  }
0x292: {  	_ =	swait.ge [sflag:s5], $0x8000  }
0x293: {  	[sflag:s5] =	ssyncset.done $0x0  }
0x294: {  	s28 =	simm.s32 $0x1800;
	[sflag:s5] =	ssyncadd.s32 $0xFFFF8000  }
0x295: {  	[tilespmem:s4], [sflag:$0x1] =	stream.indirect.gather [hbm4b:s3+s9], $0x80, s28, s9, $0xb8;
	[tilespmem:$0x19900] =	vst v63  }
0x296: {  	_ =	swait.ge [sflag:s6], $0x8000  }
0x297: {  	[sflag:s6] =	ssyncset.done $0x0  }
0x298: {  	s29 =	rddreg [dreg:$0x1b];
	[sflag:s6] =	ssyncadd.s32 $0xFFFF8000  }
0x299: {  	[hbm4b:s29+s2] =	stream.linear.scatter [tilespmem:s8], [sflag:$0x2], $0x8000, $0x38;
	[tilespmem:$0x19900] =	vst v63  }
0x29a: {  	_ =	swait.ge [sflag:s5], $0x8000  }
0x29b: {  	[sflag:s5] =	ssyncset.done $0x0  }
0x29c: {  	[sflag:s5] =	ssyncadd.s32 $0xFFFF8000  }
0x29d: {  	_ =	swait.ge [sflag:s6], $0x8000  }
0x29e: {  	[sflag:s6] =	ssyncset.done $0x0  }
0x29f: {  	s30 =	rddreg [dreg:$0x1c];
	[sflag:s6] =	ssyncadd.s32 $0xFFFF8000  }
0x2a0: {  	[hbm4b:s30+s2] =	stream.linear.scatter [tilespmem:s7], [sflag:$0x2], $0x8000, $0x38;
	[tilespmem:$0x19900] =	vst v63  }
0x2a1: {  	_ =	swait.ge [sflag:s5], $0x8000  }
0x2a2: {  	[sflag:s5] =	ssyncset.done $0x0  }
0x2a3: {  	[sflag:s5] =	ssyncadd.s32 $0xFFFF8000  }
0x2a4: {  	_ =	swait.ge [sflag:s6], $0x8000  }
0x2a5: {  	[sflag:s6] =	ssyncset.done $0x0  }
0x2a6: {  	s31 =	rddreg [dreg:$0x1d];
	[sflag:s6] =	ssyncadd.s32 $0xFFFF8000  }
0x2a7: {  	[hbm4b:s31+s2] =	stream.linear.scatter [tilespmem:s4], [sflag:$0x2], $0x8000, $0x38;
	[tilespmem:$0x19900] =	vst v63  }
0x2a8: {  	_ =	swait.ge [sflag:s5], $0x8000  }
0x2a9: {  	[sflag:s5] =	ssyncset.done $0x0  }
0x2aa: {  	[sflag:s5] =	ssyncadd.s32 $0xFFFF8000  }
0x2ab: {  	_ =	swait.ge [sflag:s5], $0x8000  }
0x2ac: {  	[sflag:s5] =	ssyncset.done $0x0  }
0x2ad: {  	[sflag:s5] =	ssyncadd.s32 $0xFFFF8000  }
0x2ae: {  	_ =	sfence.sel $0x180000  }
0x2af: {  	[bflag:$0x0] =	sbarrier.arrive $0xFFFF  }
0x2b0: {  	_ =	strace $0x90000047  }
0x2b1: {  	[bflag:$0x2] =	sbarrier.arrive $0xFFFF  }
0x2b2: {  	p0 =	sne.s32 s10, $0x0;
	s0 =	rddreg [dreg:$0x3]  }
0x2b3: {  	s0 =	sadd.s32 @!p0 $0x100000, s0  }
0x2b4: {  	[sflag:s0] =	ssyncadd.tile.s32 @!p0 $0x1;
	_ =	shalt  }
.LBB2_1:
0x2b5: {  	s11 =	simm.s32 $0x500;
	s30 =	simm.s32 $0x600  }
0x2b6: {  	s29 =	simm.s32 $0x700;
	s28 =	simm.s32 $0x800;
	s26 =	simm.s32 $0x900  }
.Ltmp3:
0x2b7: {  	s25 =	simm.s32 $0xA00;
	s24 =	simm.s32 $0xB00;
	(pc) =	sbr.rel .LBB2_6-.Ltmp3, $4  }
0x2b8: {  	s23 =	simm.s32 $0xC00;
	s22 =	simm.s32 $0xD00;
	s21 =	simm.s32 $0xE00  }
0x2b9: {  	s20 =	simm.s32 $0xF00;
	s19 =	simm.s32 $0x1000;
	s18 =	simm.s32 $0x1100  }
0x2ba: {  	s17 =	simm.s32 $0x1200;
	s16 =	simm.s32 $0x1300;
	s15 =	simm.s32 $0x1400  }
0x2bb: {  	s14 =	simm.s32 $0x1500;
	s13 =	simm.s32 $0x1600;
	s12 =	simm.s32 $0x1700  }
.LBB2_3:
0x2bc: {  	s11 =	simm.s32 $0x500;
	s30 =	simm.s32 $0x600;
	s29 =	simm.s32 $0x700  }
0x2bd: {  	s28 =	simm.s32 $0x800;
	s26 =	simm.s32 $0x900;
	s25 =	simm.s32 $0xA00  }
.Ltmp4:
0x2be: {  	s24 =	simm.s32 $0xB00;
	s23 =	simm.s32 $0xC00;
	(pc) =	sbr.rel .LBB2_6-.Ltmp4, $4  }
0x2bf: {  	s22 =	simm.s32 $0xD00;
	s21 =	simm.s32 $0xE00;
	s20 =	simm.s32 $0xF00  }
0x2c0: {  	s19 =	simm.s32 $0x1000;
	s18 =	simm.s32 $0x1100;
	s17 =	simm.s32 $0x1200  }
0x2c1: {  	s16 =	simm.s32 $0x1300;
	s15 =	simm.s32 $0x1400;
	s14 =	simm.s32 $0x1500  }
0x2c2: {  	s13 =	simm.s32 $0x1600;
	s12 =	simm.s32 $0x1700;
	s10 =	stileid.u32  }
.Lfunc_end2:
_tile_overlayer_lowered:
.L_overlay_start_2:
0x2c3: {  	(tag) =	ssettag $0x2  }
0x2c4: {  	s0 =	rddreg [dreg:$0x0];
	s2 =	stileid.u32  }
0x2c5: {  	s1 =	rddreg [dreg:$0x1];
	p0 =	sne.s32 s2, $0x0  }
0x2c6: {  	s3 =	rddreg [dreg:$0x2];
	[bflag:$0x3] =	sbarrier.arrive $0xFFFF;
	s2 =	simm.s32 @!p0 $0x1C03  }
0x2c7: {  	[timem:s3], [sflag:s2] =	dma.local @!p0 [hbm:s0], s1  }
0x2c8: {  	s0 =	simm.s32 @!p0 $0x3  }
0x2c9: {  	_ =	swait.ge @!p0 [sflag:s0], s1  }
0x2ca: {  	s1 =	ssub.s32 @!p0 $0x0, s1;
	[sflag:s0] =	ssyncset.done @!p0 $0x0  }
0x2cb: {  	[sflag:s0] =	ssyncadd.s32 @!p0 s1  }
0x2cc: {  	[bflag:$0x3] =	sbarrier.arrive $0xFFFF  }
0x2cd: {  	_ =	shalt  }

</sc_bundles>
